<compile_context>
chip_gen: v7x
topology: tpu7x:2x2x1
jax: 0.10.2.dev20260603
libtpu: 0.0.44.dev20260713+nightly
codegen_flags: <defaults>
</compile_context>

<pallas_src>
import functools

import jax
import jax.numpy as jnp
from jax import lax
from jax.experimental import pallas as pl
from jax.experimental.pallas import tpu as pltpu
from jax.experimental.pallas import tpu_sc as plsc

RADIUS2 = 0.2 * 0.2
K = 32
BIG = 1e10
NEG = -3.0e38


def _fps_kernel(px_ref, py_ref, pz_ref, ox_ref, oy_ref, oz_ref, *, M, N):
    px = px_ref[...]
    py = py_ref[...]
    pz = pz_ref[...]
    B = px.shape[0]
    io_n = lax.broadcasted_iota(jnp.int32, (B, N), 1)
    io_m = lax.broadcasted_iota(jnp.int32, (B, M), 1)
    lx0 = px[:, 0:1]
    ly0 = py[:, 0:1]
    lz0 = pz[:, 0:1]
    z = jnp.zeros((B, M), jnp.float32)
    ax0 = jnp.where(io_m == 0, lx0, z)
    ay0 = jnp.where(io_m == 0, ly0, z)
    az0 = jnp.where(io_m == 0, lz0, z)
    dists0 = jnp.full((B, N), BIG, jnp.float32)

    def body(i, c):
        dists, lx, ly, lz, ax, ay, az = c
        d2 = (px - lx) ** 2 + (py - ly) ** 2 + (pz - lz) ** 2
        dists = jnp.minimum(dists, d2)
        rm = jnp.max(dists, axis=1, keepdims=True)
        nxt = jnp.min(jnp.where(dists == rm, io_n, N), axis=1, keepdims=True)
        em = io_n == nxt
        zn = jnp.zeros((B, N), jnp.float32)
        lx = jnp.sum(jnp.where(em, px, zn), axis=1, keepdims=True)
        ly = jnp.sum(jnp.where(em, py, zn), axis=1, keepdims=True)
        lz = jnp.sum(jnp.where(em, pz, zn), axis=1, keepdims=True)
        sel = io_m == i
        ax = jnp.where(sel, lx, ax)
        ay = jnp.where(sel, ly, ay)
        az = jnp.where(sel, lz, az)
        return dists, lx, ly, lz, ax, ay, az

    _, _, _, _, ax, ay, az = lax.fori_loop(
        1, M, body, (dists0, lx0, ly0, lz0, ax0, ay0, az0))
    ox_ref[...] = ax
    oy_ref[...] = ay
    oz_ref[...] = az


def _run_fps(px, py, pz, M):
    B, N = px.shape
    out = jax.ShapeDtypeStruct((B, M), jnp.float32)
    return pl.pallas_call(
        functools.partial(_fps_kernel, M=M, N=N),
        out_shape=(out, out, out),
    )(px, py, pz)


def _bq_kernel(px_ref, py_ref, pz_ref, qx_ref, qy_ref, qz_ref, idx_ref,
               *, N, Mb):
    b = pl.program_id(0)
    px = px_ref[0]
    py = py_ref[0]
    pz = pz_ref[0]
    qx = qx_ref[0]
    qy = qy_ref[0]
    qz = qz_ref[0]
    d2 = (qx - px) ** 2 + (qy - py) ** 2 + (qz - pz) ** 2
    io_n = lax.broadcasted_iota(jnp.int32, (Mb, N), 1)
    io_k = lax.broadcasted_iota(jnp.int32, (Mb, K), 1)
    acc0 = jnp.zeros((Mb, K), jnp.int32)
    sel00 = jnp.zeros((Mb, 1), jnp.int32)

    def body(k, c):
        d2c, acc, sel0 = c
        rm = jnp.min(d2c, axis=1, keepdims=True)
        sel = jnp.min(jnp.where(d2c == rm, io_n, N), axis=1, keepdims=True)
        sel0 = jnp.where(k == 0, sel, sel0)
        valid = rm < RADIUS2
        gval = jnp.where(valid, sel, sel0)
        acc = jnp.where(io_k == k, gval, acc)
        d2c = jnp.where(io_n == sel, BIG, d2c)
        return d2c, acc, sel0

    _, acc, _ = lax.fori_loop(0, K, body, (d2, acc0, sel00))
    idx_ref[0] = acc + b * N


def _run_ball_query(px, py, pz, nx3, ny3, nz3):
    B, N = px.shape
    M = nx3.shape[1]
    Mb = min(128, M)
    px = px.reshape(B, 1, N)
    py = py.reshape(B, 1, N)
    pz = pz.reshape(B, 1, N)
    p_spec = pl.BlockSpec((1, 1, N), lambda b, m: (b, 0, 0))
    q_spec = pl.BlockSpec((1, Mb, 1), lambda b, m: (b, m, 0))
    return pl.pallas_call(
        functools.partial(_bq_kernel, N=N, Mb=Mb),
        grid=(B, M // Mb),
        in_specs=[p_spec, p_spec, p_spec, q_spec, q_spec, q_spec],
        out_specs=pl.BlockSpec((1, Mb, K), lambda b, m: (b, m, 0)),
        out_shape=jax.ShapeDtypeStruct((B, M, K), jnp.int32),
    )(px, py, pz, nx3, ny3, nz3)


def _table_kernel(fT_ref, p2_ref, WfT_ref, WpT_ref, b2_ref, t_ref, *, Nb):
    acc = jnp.dot(fT_ref[...], WfT_ref[...],
                  preferred_element_type=jnp.float32)
    acc = acc + jnp.dot(p2_ref[...], WpT_ref[...],
                        preferred_element_type=jnp.float32)
    acc = acc + b2_ref[...]
    t_ref[...] = jnp.concatenate(
        [acc, jnp.zeros((Nb, 128 - acc.shape[1]), jnp.float32)], axis=1)


def _run_table(fT, p2, WfT, WpT, b2):
    R, C = fT.shape
    Nb = min(2048, R)
    return pl.pallas_call(
        functools.partial(_table_kernel, Nb=Nb),
        grid=(R // Nb,),
        in_specs=[
            pl.BlockSpec((Nb, C), lambda i: (i, 0)),
            pl.BlockSpec((Nb, 3), lambda i: (i, 0)),
            pl.BlockSpec((C, C), lambda i: (0, 0)),
            pl.BlockSpec((3, C), lambda i: (0, 0)),
            pl.BlockSpec((1, C), lambda i: (0, 0)),
        ],
        out_specs=pl.BlockSpec((Nb, 128), lambda i: (i, 0)),
        out_shape=jax.ShapeDtypeStruct((R, 128), jnp.float32),
    )(fT, p2, WfT, WpT, b2)


def _gather_rows(table, gidx):
    R = gidx.shape[0]
    D = table.shape[1]
    info = plsc.get_sparse_core_info()
    NC, NS = info.num_cores, info.num_subcores
    NW = NC * NS
    b_per_w = R // NW
    CH = min(512, b_per_w)
    mesh = plsc.VectorSubcoreMesh(core_axis_name="c", subcore_axis_name="s")

    @functools.partial(
        pl.kernel, mesh=mesh,
        out_type=jax.ShapeDtypeStruct((R, D), jnp.float32),
        scratch_types=[
            pltpu.VMEM((CH,), jnp.int32),
            pltpu.VMEM((CH, D), jnp.float32),
            pltpu.SemaphoreType.DMA,
        ],
    )
    def k(table_hbm, idx_hbm, out_hbm, idx_v, rows_v, sem):
        wid = lax.axis_index("s") * NC + lax.axis_index("c")
        base = wid * b_per_w
        for c in range(b_per_w // CH):
            off = base + c * CH
            pltpu.sync_copy(idx_hbm.at[pl.ds(off, CH)], idx_v)
            pltpu.async_copy(table_hbm.at[idx_v], rows_v, sem).wait()
            pltpu.sync_copy(rows_v, out_hbm.at[pl.ds(off, CH)])

    return k(table, gidx)


def _conv_top3_kernel(g_ref, qx_ref, qy_ref, qz_ref, WpT_ref,
                      t3_ref, s1_ref, s2_ref, *, Mb):
    first = (pl.program_id(0) == 0) & (pl.program_id(1) == 0)

    @pl.when(first)
    def _init():
        s1_ref[...] = jnp.zeros_like(s1_ref)
        s2_ref[...] = jnp.zeros_like(s2_ref)

    q = jnp.concatenate([qx_ref[0], qy_ref[0], qz_ref[0]], axis=1)
    qproj = jnp.dot(q, WpT_ref[...], preferred_element_type=jnp.float32)
    C = qproj.shape[1]
    out = g_ref[0][:, :, :C] - qproj[:, None, :]
    s1_ref[...] += jnp.sum(out, axis=(0, 1)).reshape(1, -1)
    s2_ref[...] += jnp.sum(out * out, axis=(0, 1)).reshape(1, -1)

    kio = lax.broadcasted_iota(jnp.int32, out.shape, 1)
    cur = out
    for j in range(3):
        m = jnp.max(cur, axis=1, keepdims=True)
        t3_ref[0, :, j, :] = m[:, 0, :]
        if j < 2:
            selk = jnp.min(jnp.where(cur == m, kio, K), axis=1, keepdims=True)
            cur = jnp.where(kio == selk, NEG, cur)


def _run_conv_top3(gath4, nx3, ny3, nz3, WpT):
    B, M = nx3.shape[0], nx3.shape[1]
    Cw = gath4.shape[-1]
    C = WpT.shape[1]
    Mb = min(256, M)
    q_spec = pl.BlockSpec((1, Mb, 1), lambda b, m: (b, m, 0))
    s_spec = pl.BlockSpec((1, C), lambda b, m: (0, 0))
    return pl.pallas_call(
        functools.partial(_conv_top3_kernel, Mb=Mb),
        grid=(B, M // Mb),
        in_specs=[
            pl.BlockSpec((1, Mb, K, Cw), lambda b, m: (b, m, 0, 0)),
            q_spec, q_spec, q_spec,
            pl.BlockSpec((3, C), lambda b, m: (0, 0)),
        ],
        out_specs=[
            pl.BlockSpec((1, Mb, 3, C), lambda b, m: (b, m, 0, 0)),
            s_spec, s_spec,
        ],
        out_shape=[
            jax.ShapeDtypeStruct((B, M, 3, C), jnp.float32),
            jax.ShapeDtypeStruct((1, C), jnp.float32),
            jax.ShapeDtypeStruct((1, C), jnp.float32),
        ],
    )(gath4, nx3, ny3, nz3, WpT)


def _bn_pool_kernel(t3_ref, s1_ref, s2_ref, g2_ref, be2_ref, o_ref, *, cnt):
    mean = s1_ref[...] * (1.0 / cnt)
    var = s2_ref[...] * (1.0 / cnt) - mean * mean
    scale = g2_ref[...] / jnp.sqrt(var + 1e-5)
    shift = be2_ref[...] - mean * scale
    t3 = t3_ref[0]
    z0 = jnp.maximum(t3[:, 0, :] * scale + shift, 0.0)
    z1 = jnp.maximum(t3[:, 1, :] * scale + shift, 0.0)
    z2 = jnp.maximum(t3[:, 2, :] * scale + shift, 0.0)
    o_ref[0] = z0 + 0.25 * (z1 + z2)


def _run_bn_pool(t3, s1, s2, g2, be2, cnt):
    B, M, _, C = t3.shape
    Mb = min(512, M)
    s_spec = pl.BlockSpec((1, C), lambda b, m: (0, 0))
    return pl.pallas_call(
        functools.partial(_bn_pool_kernel, cnt=cnt),
        grid=(B, M // Mb),
        in_specs=[
            pl.BlockSpec((1, Mb, 3, C), lambda b, m: (b, m, 0, 0)),
            s_spec, s_spec, s_spec, s_spec,
        ],
        out_specs=pl.BlockSpec((1, Mb, C), lambda b, m: (b, m, 0)),
        out_shape=jax.ShapeDtypeStruct((B, M, C), jnp.float32),
    )(t3, s1, s2, g2, be2)


def kernel(p, f, W, b, gamma, beta):
    B, N, _ = p.shape
    C = W.shape[0]
    M = N // 4

    px = p[:, :, 0]
    py = p[:, :, 1]
    pz = p[:, :, 2]

    nx, ny, nz = _run_fps(px, py, pz, M)
    new_p = jnp.stack([nx, ny, nz], axis=-1)

    nx3 = nx[:, :, None]
    ny3 = ny[:, :, None]
    nz3 = nz[:, :, None]
    gidx = _run_ball_query(px, py, pz, nx3, ny3, nz3)

    WpT = jnp.transpose(W[:, :3])
    WfT = jnp.transpose(W[:, 3:])
    fT = jnp.transpose(f, (0, 2, 1)).reshape(B * N, -1)
    p2 = p.reshape(B * N, 3)
    b2 = b.reshape(1, C)
    table = _run_table(fT, p2, WfT, WpT, b2)

    gath = _gather_rows(table, gidx.reshape(B * M * K))
    gath4 = gath.reshape(B, M, K, gath.shape[-1])

    t3, s1, s2 = _run_conv_top3(gath4, nx3, ny3, nz3, WpT)

    cnt = float(B * M * K)
    pooled = _run_bn_pool(t3, s1, s2, gamma.reshape(1, C),
                          beta.reshape(1, C), cnt)
    return (new_p, jnp.transpose(pooled, (0, 2, 1)))

# --- scband reference (transcript-rebuilt; emitter-appended) ---
"""Pipeline reference for scband-set-abstraction-34050500722878 (READ-ONLY COPY).

The authoritative reference and input builder live on the scoring server;
editing this copy changes nothing except your own understanding.
"""

import jax, jax.numpy as jnp
import numpy as np

RADIUS = 0.2
NSAMPLE = 32
STRIDE = 4


def fps(p, m):
    # furthest point sampling. p: (B, N, 3) -> idx (B, m) int32
    B, N, _ = p.shape
    idxs0 = jnp.zeros((B, m), dtype=jnp.int32)
    dists0 = jnp.full((B, N), 1e10, dtype=p.dtype)
    last0 = jnp.zeros((B,), dtype=jnp.int32)

    def body(i, state):
        idxs, dists, last = state
        last_p = jax.vmap(lambda pb, lb: pb[lb])(p, last)[:, None, :]  # (B,1,3)
        d = jnp.sum((p - last_p) ** 2, axis=-1)  # (B,N)
        dists = jnp.minimum(dists, d)
        nxt = jnp.argmax(dists, axis=-1).astype(jnp.int32)
        idxs = idxs.at[:, i].set(nxt)
        return (idxs, dists, nxt)

    idxs, _, _ = jax.lax.fori_loop(1, m, body, (idxs0, dists0, last0))
    return idxs


def ball_query(new_p, p, radius, k):
    # new_p (B,M,3), p (B,N,3) -> idx (B,M,k) int32
    d2 = jnp.sum((new_p[:, :, None, :] - p[:, None, :, :]) ** 2, axis=-1)  # (B,M,N)
    valid = d2 < radius * radius
    key = jnp.where(valid, d2, jnp.float32(1e10))
    idx = jnp.argsort(key, axis=-1)[:, :, :k].astype(jnp.int32)
    valid_k = jnp.take_along_axis(valid, idx, axis=-1)
    idx = jnp.where(valid_k, idx, idx[:, :, :1])  # pad invalid slots with first idx
    return idx


def gather_points(p, idx):
    # p (B,N,D), idx (B,...) -> (B,...,D)
    return jax.vmap(lambda pb, ib: pb[ib])(p, idx)


def gather_features(f, idx):
    # f (B,C,N), idx (B,M,K) -> (B,C,M,K)
    return jax.vmap(lambda fb, ib: fb[:, ib])(f, idx)


def setup_inputs(seed: int = 0) -> dict:
    key = jax.random.key(seed)
    ks = jax.random.split(key, 6)
    B, N, C_in, C_out = 4, 8192, 64, 64
    p = jax.random.uniform(ks[0], (B, N, 3), dtype=jnp.float32)
    f = jax.random.normal(ks[1], (B, C_in, N), dtype=jnp.float32)
    W = jax.random.normal(ks[2], (C_out, C_in + 3), dtype=jnp.float32) * 0.1
    b = jnp.zeros((C_out,), jnp.float32)
    gamma = jnp.ones((C_out,), jnp.float32)
    beta = jnp.zeros((C_out,), jnp.float32)
    return {"p": p, "f": f, "W": W, "b": b, "gamma": gamma, "beta": beta}


def reference(p, f, W, b, gamma, beta):
    # SetAbstraction forward (non-head, stride>1, feature_type='dp_fj', use_res=False)
    B, N, _ = p.shape
    m = N // STRIDE
    sg = jax.lax.stop_gradient
    fps_idx = fps(sg(p), m)                      # (B,M) FPS sampling (non-diff op)
    new_p = gather_points(p, fps_idx)            # (B,M,3)
    nbr_idx = ball_query(sg(new_p), sg(p), RADIUS, NSAMPLE)  # (B,M,K)
    grouped_p = gather_points(p, nbr_idx)        # (B,M,K,3)
    dp = grouped_p - new_p[:, :, None, :]        # relative coords
    dp = jnp.transpose(dp, (0, 3, 1, 2))         # (B,3,M,K)
    fj = gather_features(f, nbr_idx)             # (B,C,M,K)
    feat = jnp.concatenate([dp, fj], axis=1)     # dp_fj -> (B,3+C,M,K)
    # convblock2d: 1x1 conv + BN + ReLU
    out = jnp.einsum('oc,bcmk->bomk', W, feat) + b[None, :, None, None]
    mean = jnp.mean(out, axis=(0, 2, 3), keepdims=True)
    var = jnp.var(out, axis=(0, 2, 3), keepdims=True)
    out = (out - mean) / jnp.sqrt(var + 1e-5)
    out = gamma[None, :, None, None] * out + beta[None, :, None, None]
    out = jax.nn.relu(out)
    # Recycling MaxPooling (rmp, k=3, recycled_weight=0.5) over neighbor dim
    top3, _ = jax.lax.top_k(out, 3)              # (B,C,M,3)
    pooled = top3[..., 0] + 0.5 * 0.5 * (top3[..., 1] + top3[..., 2])  # (B,C,M)
    return (new_p, pooled)

if __name__ == "__main__":
    import jax
    _d = setup_inputs()
    print(jax.jit(kernel)(*tuple(_d.values())))

</pallas_src>

<mosaic_0001>
#map = affine_map<(d0, d1) -> (0, 0)>
#map1 = affine_map<(d0, d1) -> (0)>
module attributes {stable_mosaic.version = 14 : i64} {
  func.func @k(%arg0: i32, %arg1: i32, %arg2: memref<32768x128xf32, #tpu.memory_space<hbm>>, %arg3: memref<262144xi32, #tpu.memory_space<hbm>>, %arg4: memref<262144x128xf32, #tpu.memory_space<hbm>>, %arg5: memref<512xi32, #tpu.memory_space<vmem>>, %arg6: memref<512x128xf32, #tpu.memory_space<vmem>>, %arg7: memref<!tpu.dma_semaphore, #tpu.memory_space<semaphore_mem>>) attributes {dimension_semantics = [#tpu.dimension_semantics<core_parallel>, #tpu.dimension_semantics<subcore_parallel>], iteration_bounds = array<i64: 2, 16>, scalar_prefetch = 0 : i64, scratch_operands = 3 : i64, tpu.core_type = #tpu.core_type<sc_vector_subcore>, window_params = [{transform_indices = #map}, {transform_indices = #map1}, {transform_indices = #map}]} {
    %mul3A = arith.constant 2 : i32
    %mul3A_0 = arith.muli %arg1, %mul3A : i32
    %add3A = arith.addi %mul3A_0, %arg0 : i32
    %mul3A_1 = arith.constant 8192 : i32
    %mul3A_2 = arith.muli %add3A, %mul3A_1 : i32
    %add3A_3 = arith.constant 0 : i32
    %add3A_4 = arith.addi %mul3A_2, %add3A_3 : i32
    "tpu.region"() ({
      %run_scoped3A = tpu.sem_alloc : memref<!tpu.dma_semaphore, #tpu.memory_space<semaphore_mem>>
      %dma_start3A_129 = tpu.memref_slice %arg3[%add3A_4] : memref<262144xi32, #tpu.memory_space<hbm>> -> memref<512xi32, #tpu.memory_space<hbm>>
      %dma_start3A_130 = tpu.memref_slice %arg3[%add3A_4] : memref<262144xi32, #tpu.memory_space<hbm>> -> memref<512xi32, #tpu.memory_space<hbm>>
      tpu.enqueue_dma source(%dma_start3A_130 : memref<512xi32, #tpu.memory_space<hbm>>) target(%arg5 : memref<512xi32, #tpu.memory_space<vmem>>) target_semaphore(%run_scoped3A : memref<!tpu.dma_semaphore, #tpu.memory_space<semaphore_mem>>)
      %dma_wait3A_131 = tpu.memref_slice %arg3[%add3A_4] : memref<262144xi32, #tpu.memory_space<hbm>> -> memref<512xi32, #tpu.memory_space<hbm>>
      %dma_wait3A_132 = tpu.memref_slice %arg3[%add3A_4] : memref<262144xi32, #tpu.memory_space<hbm>> -> memref<512xi32, #tpu.memory_space<hbm>>
      tpu.wait_dma2 semaphore(%run_scoped3A : memref<!tpu.dma_semaphore, #tpu.memory_space<semaphore_mem>>) src(%dma_wait3A_132 : memref<512xi32, #tpu.memory_space<hbm>>) dst(%arg5 : memref<512xi32, #tpu.memory_space<vmem>>)
      tpu.yield
    }) : () -> ()
    %dma_start3A = arith.constant 0 : i32
    %dma_start3A_5 = arith.constant 0 : i32
    %dma_start3A_6 = tpu.memref_slice %arg2[%dma_start3A, %dma_start3A_5] : memref<32768x128xf32, #tpu.memory_space<hbm>> -> memref<32768x128xf32, #tpu.memory_space<hbm>>
    tpu.enqueue_indirect_dma source(%dma_start3A_6 : memref<32768x128xf32, #tpu.memory_space<hbm>>) target(%arg6 : memref<512x128xf32, #tpu.memory_space<vmem>>) offsets(%arg5 : memref<512xi32, #tpu.memory_space<vmem>>) semaphore(%arg7 : memref<!tpu.dma_semaphore, #tpu.memory_space<semaphore_mem>>)
    %dma_wait3A = arith.constant 0 : i32
    %dma_wait3A_7 = arith.constant 0 : i32
    %dma_wait3A_8 = tpu.memref_slice %arg2[%dma_wait3A, %dma_wait3A_7] : memref<32768x128xf32, #tpu.memory_space<hbm>> -> memref<32768x128xf32, #tpu.memory_space<hbm>>
    tpu.wait_indirect_dma semaphore(%arg7 : memref<!tpu.dma_semaphore, #tpu.memory_space<semaphore_mem>>) src(%dma_wait3A_8 : memref<32768x128xf32, #tpu.memory_space<hbm>>) dst(%arg6 : memref<512x128xf32, #tpu.memory_space<vmem>>)
    "tpu.region"() ({
      %run_scoped3A = tpu.sem_alloc : memref<!tpu.dma_semaphore, #tpu.memory_space<semaphore_mem>>
      %dma_start3A_129 = arith.constant 0 : i32
      %dma_start3A_130 = tpu.memref_slice %arg4[%add3A_4, %dma_start3A_129] : memref<262144x128xf32, #tpu.memory_space<hbm>> -> memref<512x128xf32, #tpu.memory_space<hbm>>
      %dma_start3A_131 = arith.constant 0 : i32
      %dma_start3A_132 = tpu.memref_slice %arg4[%add3A_4, %dma_start3A_131] : memref<262144x128xf32, #tpu.memory_space<hbm>> -> memref<512x128xf32, #tpu.memory_space<hbm>>
      tpu.enqueue_dma source(%arg6 : memref<512x128xf32, #tpu.memory_space<vmem>>) target(%dma_start3A_132 : memref<512x128xf32, #tpu.memory_space<hbm>>) target_semaphore(%run_scoped3A : memref<!tpu.dma_semaphore, #tpu.memory_space<semaphore_mem>>)
      %dma_wait3A_133 = arith.constant 0 : i32
      %dma_wait3A_134 = tpu.memref_slice %arg4[%add3A_4, %dma_wait3A_133] : memref<262144x128xf32, #tpu.memory_space<hbm>> -> memref<512x128xf32, #tpu.memory_space<hbm>>
      %dma_wait3A_135 = arith.constant 0 : i32
      %dma_wait3A_136 = tpu.memref_slice %arg4[%add3A_4, %dma_wait3A_135] : memref<262144x128xf32, #tpu.memory_space<hbm>> -> memref<512x128xf32, #tpu.memory_space<hbm>>
      tpu.wait_dma2 semaphore(%run_scoped3A : memref<!tpu.dma_semaphore, #tpu.memory_space<semaphore_mem>>) src(%arg6 : memref<512x128xf32, #tpu.memory_space<vmem>>) dst(%dma_wait3A_136 : memref<512x128xf32, #tpu.memory_space<hbm>>)
      tpu.yield
    }) : () -> ()
    %add3A_9 = arith.constant 512 : i32
    %add3A_10 = arith.addi %mul3A_2, %add3A_9 : i32
    "tpu.region"() ({
      %run_scoped3A = tpu.sem_alloc : memref<!tpu.dma_semaphore, #tpu.memory_space<semaphore_mem>>
      %dma_start3A_129 = tpu.memref_slice %arg3[%add3A_10] : memref<262144xi32, #tpu.memory_space<hbm>> -> memref<512xi32, #tpu.memory_space<hbm>>
      %dma_start3A_130 = tpu.memref_slice %arg3[%add3A_10] : memref<262144xi32, #tpu.memory_space<hbm>> -> memref<512xi32, #tpu.memory_space<hbm>>
      tpu.enqueue_dma source(%dma_start3A_130 : memref<512xi32, #tpu.memory_space<hbm>>) target(%arg5 : memref<512xi32, #tpu.memory_space<vmem>>) target_semaphore(%run_scoped3A : memref<!tpu.dma_semaphore, #tpu.memory_space<semaphore_mem>>)
      %dma_wait3A_131 = tpu.memref_slice %arg3[%add3A_10] : memref<262144xi32, #tpu.memory_space<hbm>> -> memref<512xi32, #tpu.memory_space<hbm>>
      %dma_wait3A_132 = tpu.memref_slice %arg3[%add3A_10] : memref<262144xi32, #tpu.memory_space<hbm>> -> memref<512xi32, #tpu.memory_space<hbm>>
      tpu.wait_dma2 semaphore(%run_scoped3A : memref<!tpu.dma_semaphore, #tpu.memory_space<semaphore_mem>>) src(%dma_wait3A_132 : memref<512xi32, #tpu.memory_space<hbm>>) dst(%arg5 : memref<512xi32, #tpu.memory_space<vmem>>)
      tpu.yield
    }) : () -> ()
    %dma_start3A_11 = arith.constant 0 : i32
    %dma_start3A_12 = arith.constant 0 : i32
    %dma_start3A_13 = tpu.memref_slice %arg2[%dma_start3A_11, %dma_start3A_12] : memref<32768x128xf32, #tpu.memory_space<hbm>> -> memref<32768x128xf32, #tpu.memory_space<hbm>>
    tpu.enqueue_indirect_dma source(%dma_start3A_13 : memref<32768x128xf32, #tpu.memory_space<hbm>>) target(%arg6 : memref<512x128xf32, #tpu.memory_space<vmem>>) offsets(%arg5 : memref<512xi32, #tpu.memory_space<vmem>>) semaphore(%arg7 : memref<!tpu.dma_semaphore, #tpu.memory_space<semaphore_mem>>)
    %dma_wait3A_14 = arith.constant 0 : i32
    %dma_wait3A_15 = arith.constant 0 : i32
    %dma_wait3A_16 = tpu.memref_slice %arg2[%dma_wait3A_14, %dma_wait3A_15] : memref<32768x128xf32, #tpu.memory_space<hbm>> -> memref<32768x128xf32, #tpu.memory_space<hbm>>
    tpu.wait_indirect_dma semaphore(%arg7 : memref<!tpu.dma_semaphore, #tpu.memory_space<semaphore_mem>>) src(%dma_wait3A_16 : memref<32768x128xf32, #tpu.memory_space<hbm>>) dst(%arg6 : memref<512x128xf32, #tpu.memory_space<vmem>>)
    "tpu.region"() ({
      %run_scoped3A = tpu.sem_alloc : memref<!tpu.dma_semaphore, #tpu.memory_space<semaphore_mem>>
      %dma_start3A_129 = arith.constant 0 : i32
      %dma_start3A_130 = tpu.memref_slice %arg4[%add3A_10, %dma_start3A_129] : memref<262144x128xf32, #tpu.memory_space<hbm>> -> memref<512x128xf32, #tpu.memory_space<hbm>>
      %dma_start3A_131 = arith.constant 0 : i32
      %dma_start3A_132 = tpu.memref_slice %arg4[%add3A_10, %dma_start3A_131] : memref<262144x128xf32, #tpu.memory_space<hbm>> -> memref<512x128xf32, #tpu.memory_space<hbm>>
      tpu.enqueue_dma source(%arg6 : memref<512x128xf32, #tpu.memory_space<vmem>>) target(%dma_start3A_132 : memref<512x128xf32, #tpu.memory_space<hbm>>) target_semaphore(%run_scoped3A : memref<!tpu.dma_semaphore, #tpu.memory_space<semaphore_mem>>)
      %dma_wait3A_133 = arith.constant 0 : i32
      %dma_wait3A_134 = tpu.memref_slice %arg4[%add3A_10, %dma_wait3A_133] : memref<262144x128xf32, #tpu.memory_space<hbm>> -> memref<512x128xf32, #tpu.memory_space<hbm>>
      %dma_wait3A_135 = arith.constant 0 : i32
      %dma_wait3A_136 = tpu.memref_slice %arg4[%add3A_10, %dma_wait3A_135] : memref<262144x128xf32, #tpu.memory_space<hbm>> -> memref<512x128xf32, #tpu.memory_space<hbm>>
      tpu.wait_dma2 semaphore(%run_scoped3A : memref<!tpu.dma_semaphore, #tpu.memory_space<semaphore_mem>>) src(%arg6 : memref<512x128xf32, #tpu.memory_space<vmem>>) dst(%dma_wait3A_136 : memref<512x128xf32, #tpu.memory_space<hbm>>)
      tpu.yield
    }) : () -> ()
    %add3A_17 = arith.constant 1024 : i32
    %add3A_18 = arith.addi %mul3A_2, %add3A_17 : i32
    "tpu.region"() ({
      %run_scoped3A = tpu.sem_alloc : memref<!tpu.dma_semaphore, #tpu.memory_space<semaphore_mem>>
      %dma_start3A_129 = tpu.memref_slice %arg3[%add3A_18] : memref<262144xi32, #tpu.memory_space<hbm>> -> memref<512xi32, #tpu.memory_space<hbm>>
      %dma_start3A_130 = tpu.memref_slice %arg3[%add3A_18] : memref<262144xi32, #tpu.memory_space<hbm>> -> memref<512xi32, #tpu.memory_space<hbm>>
      tpu.enqueue_dma source(%dma_start3A_130 : memref<512xi32, #tpu.memory_space<hbm>>) target(%arg5 : memref<512xi32, #tpu.memory_space<vmem>>) target_semaphore(%run_scoped3A : memref<!tpu.dma_semaphore, #tpu.memory_space<semaphore_mem>>)
      %dma_wait3A_131 = tpu.memref_slice %arg3[%add3A_18] : memref<262144xi32, #tpu.memory_space<hbm>> -> memref<512xi32, #tpu.memory_space<hbm>>
      %dma_wait3A_132 = tpu.memref_slice %arg3[%add3A_18] : memref<262144xi32, #tpu.memory_space<hbm>> -> memref<512xi32, #tpu.memory_space<hbm>>
      tpu.wait_dma2 semaphore(%run_scoped3A : memref<!tpu.dma_semaphore, #tpu.memory_space<semaphore_mem>>) src(%dma_wait3A_132 : memref<512xi32, #tpu.memory_space<hbm>>) dst(%arg5 : memref<512xi32, #tpu.memory_space<vmem>>)
      tpu.yield
    }) : () -> ()
    %dma_start3A_19 = arith.constant 0 : i32
    %dma_start3A_20 = arith.constant 0 : i32
    %dma_start3A_21 = tpu.memref_slice %arg2[%dma_start3A_19, %dma_start3A_20] : memref<32768x128xf32, #tpu.memory_space<hbm>> -> memref<32768x128xf32, #tpu.memory_space<hbm>>
    tpu.enqueue_indirect_dma source(%dma_start3A_21 : memref<32768x128xf32, #tpu.memory_space<hbm>>) target(%arg6 : memref<512x128xf32, #tpu.memory_space<vmem>>) offsets(%arg5 : memref<512xi32, #tpu.memory_space<vmem>>) semaphore(%arg7 : memref<!tpu.dma_semaphore, #tpu.memory_space<semaphore_mem>>)
    %dma_wait3A_22 = arith.constant 0 : i32
    %dma_wait3A_23 = arith.constant 0 : i32
    %dma_wait3A_24 = tpu.memref_slice %arg2[%dma_wait3A_22, %dma_wait3A_23] : memref<32768x128xf32, #tpu.memory_space<hbm>> -> memref<32768x128xf32, #tpu.memory_space<hbm>>
    tpu.wait_indirect_dma semaphore(%arg7 : memref<!tpu.dma_semaphore, #tpu.memory_space<semaphore_mem>>) src(%dma_wait3A_24 : memref<32768x128xf32, #tpu.memory_space<hbm>>) dst(%arg6 : memref<512x128xf32, #tpu.memory_space<vmem>>)
    "tpu.region"() ({
      %run_scoped3A = tpu.sem_alloc : memref<!tpu.dma_semaphore, #tpu.memory_space<semaphore_mem>>
      %dma_start3A_129 = arith.constant 0 : i32
      %dma_start3A_130 = tpu.memref_slice %arg4[%add3A_18, %dma_start3A_129] : memref<262144x128xf32, #tpu.memory_space<hbm>> -> memref<512x128xf32, #tpu.memory_space<hbm>>
      %dma_start3A_131 = arith.constant 0 : i32
      %dma_start3A_132 = tpu.memref_slice %arg4[%add3A_18, %dma_start3A_131] : memref<262144x128xf32, #tpu.memory_space<hbm>> -> memref<512x128xf32, #tpu.memory_space<hbm>>
      tpu.enqueue_dma source(%arg6 : memref<512x128xf32, #tpu.memory_space<vmem>>) target(%dma_start3A_132 : memref<512x128xf32, #tpu.memory_space<hbm>>) target_semaphore(%run_scoped3A : memref<!tpu.dma_semaphore, #tpu.memory_space<semaphore_mem>>)
      %dma_wait3A_133 = arith.constant 0 : i32
      %dma_wait3A_134 = tpu.memref_slice %arg4[%add3A_18, %dma_wait3A_133] : memref<262144x128xf32, #tpu.memory_space<hbm>> -> memref<512x128xf32, #tpu.memory_space<hbm>>
      %dma_wait3A_135 = arith.constant 0 : i32
      %dma_wait3A_136 = tpu.memref_slice %arg4[%add3A_18, %dma_wait3A_135] : memref<262144x128xf32, #tpu.memory_space<hbm>> -> memref<512x128xf32, #tpu.memory_space<hbm>>
      tpu.wait_dma2 semaphore(%run_scoped3A : memref<!tpu.dma_semaphore, #tpu.memory_space<semaphore_mem>>) src(%arg6 : memref<512x128xf32, #tpu.memory_space<vmem>>) dst(%dma_wait3A_136 : memref<512x128xf32, #tpu.memory_space<hbm>>)
      tpu.yield
    }) : () -> ()
    %add3A_25 = arith.constant 1536 : i32
    %add3A_26 = arith.addi %mul3A_2, %add3A_25 : i32
    "tpu.region"() ({
      %run_scoped3A = tpu.sem_alloc : memref<!tpu.dma_semaphore, #tpu.memory_space<semaphore_mem>>
      %dma_start3A_129 = tpu.memref_slice %arg3[%add3A_26] : memref<262144xi32, #tpu.memory_space<hbm>> -> memref<512xi32, #tpu.memory_space<hbm>>
      %dma_start3A_130 = tpu.memref_slice %arg3[%add3A_26] : memref<262144xi32, #tpu.memory_space<hbm>> -> memref<512xi32, #tpu.memory_space<hbm>>
      tpu.enqueue_dma source(%dma_start3A_130 : memref<512xi32, #tpu.memory_space<hbm>>) target(%arg5 : memref<512xi32, #tpu.memory_space<vmem>>) target_semaphore(%run_scoped3A : memref<!tpu.dma_semaphore, #tpu.memory_space<semaphore_mem>>)
      %dma_wait3A_131 = tpu.memref_slice %arg3[%add3A_26] : memref<262144xi32, #tpu.memory_space<hbm>> -> memref<512xi32, #tpu.memory_space<hbm>>
      %dma_wait3A_132 = tpu.memref_slice %arg3[%add3A_26] : memref<262144xi32, #tpu.memory_space<hbm>> -> memref<512xi32, #tpu.memory_space<hbm>>
      tpu.wait_dma2 semaphore(%run_scoped3A : memref<!tpu.dma_semaphore, #tpu.memory_space<semaphore_mem>>) src(%dma_wait3A_132 : memref<512xi32, #tpu.memory_space<hbm>>) dst(%arg5 : memref<512xi32, #tpu.memory_space<vmem>>)
      tpu.yield
    }) : () -> ()
    %dma_start3A_27 = arith.constant 0 : i32
    %dma_start3A_28 = arith.constant 0 : i32
    %dma_start3A_29 = tpu.memref_slice %arg2[%dma_start3A_27, %dma_start3A_28] : memref<32768x128xf32, #tpu.memory_space<hbm>> -> memref<32768x128xf32, #tpu.memory_space<hbm>>
    tpu.enqueue_indirect_dma source(%dma_start3A_29 : memref<32768x128xf32, #tpu.memory_space<hbm>>) target(%arg6 : memref<512x128xf32, #tpu.memory_space<vmem>>) offsets(%arg5 : memref<512xi32, #tpu.memory_space<vmem>>) semaphore(%arg7 : memref<!tpu.dma_semaphore, #tpu.memory_space<semaphore_mem>>)
    %dma_wait3A_30 = arith.constant 0 : i32
    %dma_wait3A_31 = arith.constant 0 : i32
    %dma_wait3A_32 = tpu.memref_slice %arg2[%dma_wait3A_30, %dma_wait3A_31] : memref<32768x128xf32, #tpu.memory_space<hbm>> -> memref<32768x128xf32, #tpu.memory_space<hbm>>
    tpu.wait_indirect_dma semaphore(%arg7 : memref<!tpu.dma_semaphore, #tpu.memory_space<semaphore_mem>>) src(%dma_wait3A_32 : memref<32768x128xf32, #tpu.memory_space<hbm>>) dst(%arg6 : memref<512x128xf32, #tpu.memory_space<vmem>>)
    "tpu.region"() ({
      %run_scoped3A = tpu.sem_alloc : memref<!tpu.dma_semaphore, #tpu.memory_space<semaphore_mem>>
      %dma_start3A_129 = arith.constant 0 : i32
      %dma_start3A_130 = tpu.memref_slice %arg4[%add3A_26, %dma_start3A_129] : memref<262144x128xf32, #tpu.memory_space<hbm>> -> memref<512x128xf32, #tpu.memory_space<hbm>>
      %dma_start3A_131 = arith.constant 0 : i32
      %dma_start3A_132 = tpu.memref_slice %arg4[%add3A_26, %dma_start3A_131] : memref<262144x128xf32, #tpu.memory_space<hbm>> -> memref<512x128xf32, #tpu.memory_space<hbm>>
      tpu.enqueue_dma source(%arg6 : memref<512x128xf32, #tpu.memory_space<vmem>>) target(%dma_start3A_132 : memref<512x128xf32, #tpu.memory_space<hbm>>) target_semaphore(%run_scoped3A : memref<!tpu.dma_semaphore, #tpu.memory_space<semaphore_mem>>)
      %dma_wait3A_133 = arith.constant 0 : i32
      %dma_wait3A_134 = tpu.memref_slice %arg4[%add3A_26, %dma_wait3A_133] : memref<262144x128xf32, #tpu.memory_space<hbm>> -> memref<512x128xf32, #tpu.memory_space<hbm>>
      %dma_wait3A_135 = arith.constant 0 : i32
      %dma_wait3A_136 = tpu.memref_slice %arg4[%add3A_26, %dma_wait3A_135] : memref<262144x128xf32, #tpu.memory_space<hbm>> -> memref<512x128xf32, #tpu.memory_space<hbm>>
      tpu.wait_dma2 semaphore(%run_scoped3A : memref<!tpu.dma_semaphore, #tpu.memory_space<semaphore_mem>>) src(%arg6 : memref<512x128xf32, #tpu.memory_space<vmem>>) dst(%dma_wait3A_136 : memref<512x128xf32, #tpu.memory_space<hbm>>)
      tpu.yield
    }) : () -> ()
    %add3A_33 = arith.constant 2048 : i32
    %add3A_34 = arith.addi %mul3A_2, %add3A_33 : i32
    "tpu.region"() ({
      %run_scoped3A = tpu.sem_alloc : memref<!tpu.dma_semaphore, #tpu.memory_space<semaphore_mem>>
      %dma_start3A_129 = tpu.memref_slice %arg3[%add3A_34] : memref<262144xi32, #tpu.memory_space<hbm>> -> memref<512xi32, #tpu.memory_space<hbm>>
      %dma_start3A_130 = tpu.memref_slice %arg3[%add3A_34] : memref<262144xi32, #tpu.memory_space<hbm>> -> memref<512xi32, #tpu.memory_space<hbm>>
      tpu.enqueue_dma source(%dma_start3A_130 : memref<512xi32, #tpu.memory_space<hbm>>) target(%arg5 : memref<512xi32, #tpu.memory_space<vmem>>) target_semaphore(%run_scoped3A : memref<!tpu.dma_semaphore, #tpu.memory_space<semaphore_mem>>)
      %dma_wait3A_131 = tpu.memref_slice %arg3[%add3A_34] : memref<262144xi32, #tpu.memory_space<hbm>> -> memref<512xi32, #tpu.memory_space<hbm>>
      %dma_wait3A_132 = tpu.memref_slice %arg3[%add3A_34] : memref<262144xi32, #tpu.memory_space<hbm>> -> memref<512xi32, #tpu.memory_space<hbm>>
      tpu.wait_dma2 semaphore(%run_scoped3A : memref<!tpu.dma_semaphore, #tpu.memory_space<semaphore_mem>>) src(%dma_wait3A_132 : memref<512xi32, #tpu.memory_space<hbm>>) dst(%arg5 : memref<512xi32, #tpu.memory_space<vmem>>)
      tpu.yield
    }) : () -> ()
    %dma_start3A_35 = arith.constant 0 : i32
    %dma_start3A_36 = arith.constant 0 : i32
    %dma_start3A_37 = tpu.memref_slice %arg2[%dma_start3A_35, %dma_start3A_36] : memref<32768x128xf32, #tpu.memory_space<hbm>> -> memref<32768x128xf32, #tpu.memory_space<hbm>>
    tpu.enqueue_indirect_dma source(%dma_start3A_37 : memref<32768x128xf32, #tpu.memory_space<hbm>>) target(%arg6 : memref<512x128xf32, #tpu.memory_space<vmem>>) offsets(%arg5 : memref<512xi32, #tpu.memory_space<vmem>>) semaphore(%arg7 : memref<!tpu.dma_semaphore, #tpu.memory_space<semaphore_mem>>)
    %dma_wait3A_38 = arith.constant 0 : i32
    %dma_wait3A_39 = arith.constant 0 : i32
    %dma_wait3A_40 = tpu.memref_slice %arg2[%dma_wait3A_38, %dma_wait3A_39] : memref<32768x128xf32, #tpu.memory_space<hbm>> -> memref<32768x128xf32, #tpu.memory_space<hbm>>
    tpu.wait_indirect_dma semaphore(%arg7 : memref<!tpu.dma_semaphore, #tpu.memory_space<semaphore_mem>>) src(%dma_wait3A_40 : memref<32768x128xf32, #tpu.memory_space<hbm>>) dst(%arg6 : memref<512x128xf32, #tpu.memory_space<vmem>>)
    "tpu.region"() ({
      %run_scoped3A = tpu.sem_alloc : memref<!tpu.dma_semaphore, #tpu.memory_space<semaphore_mem>>
      %dma_start3A_129 = arith.constant 0 : i32
      %dma_start3A_130 = tpu.memref_slice %arg4[%add3A_34, %dma_start3A_129] : memref<262144x128xf32, #tpu.memory_space<hbm>> -> memref<512x128xf32, #tpu.memory_space<hbm>>
      %dma_start3A_131 = arith.constant 0 : i32
      %dma_start3A_132 = tpu.memref_slice %arg4[%add3A_34, %dma_start3A_131] : memref<262144x128xf32, #tpu.memory_space<hbm>> -> memref<512x128xf32, #tpu.memory_space<hbm>>
      tpu.enqueue_dma source(%arg6 : memref<512x128xf32, #tpu.memory_space<vmem>>) target(%dma_start3A_132 : memref<512x128xf32, #tpu.memory_space<hbm>>) target_semaphore(%run_scoped3A : memref<!tpu.dma_semaphore, #tpu.memory_space<semaphore_mem>>)
      %dma_wait3A_133 = arith.constant 0 : i32
      %dma_wait3A_134 = tpu.memref_slice %arg4[%add3A_34, %dma_wait3A_133] : memref<262144x128xf32, #tpu.memory_space<hbm>> -> memref<512x128xf32, #tpu.memory_space<hbm>>
      %dma_wait3A_135 = arith.constant 0 : i32
      %dma_wait3A_136 = tpu.memref_slice %arg4[%add3A_34, %dma_wait3A_135] : memref<262144x128xf32, #tpu.memory_space<hbm>> -> memref<512x128xf32, #tpu.memory_space<hbm>>
      tpu.wait_dma2 semaphore(%run_scoped3A : memref<!tpu.dma_semaphore, #tpu.memory_space<semaphore_mem>>) src(%arg6 : memref<512x128xf32, #tpu.memory_space<vmem>>) dst(%dma_wait3A_136 : memref<512x128xf32, #tpu.memory_space<hbm>>)
      tpu.yield
    }) : () -> ()
    %add3A_41 = arith.constant 2560 : i32
    %add3A_42 = arith.addi %mul3A_2, %add3A_41 : i32
    "tpu.region"() ({
      %run_scoped3A = tpu.sem_alloc : memref<!tpu.dma_semaphore, #tpu.memory_space<semaphore_mem>>
      %dma_start3A_129 = tpu.memref_slice %arg3[%add3A_42] : memref<262144xi32, #tpu.memory_space<hbm>> -> memref<512xi32, #tpu.memory_space<hbm>>
      %dma_start3A_130 = tpu.memref_slice %arg3[%add3A_42] : memref<262144xi32, #tpu.memory_space<hbm>> -> memref<512xi32, #tpu.memory_space<hbm>>
      tpu.enqueue_dma source(%dma_start3A_130 : memref<512xi32, #tpu.memory_space<hbm>>) target(%arg5 : memref<512xi32, #tpu.memory_space<vmem>>) target_semaphore(%run_scoped3A : memref<!tpu.dma_semaphore, #tpu.memory_space<semaphore_mem>>)
      %dma_wait3A_131 = tpu.memref_slice %arg3[%add3A_42] : memref<262144xi32, #tpu.memory_space<hbm>> -> memref<512xi32, #tpu.memory_space<hbm>>
      %dma_wait3A_132 = tpu.memref_slice %arg3[%add3A_42] : memref<262144xi32, #tpu.memory_space<hbm>> -> memref<512xi32, #tpu.memory_space<hbm>>
      tpu.wait_dma2 semaphore(%run_scoped3A : memref<!tpu.dma_semaphore, #tpu.memory_space<semaphore_mem>>) src(%dma_wait3A_132 : memref<512xi32, #tpu.memory_space<hbm>>) dst(%arg5 : memref<512xi32, #tpu.memory_space<vmem>>)
      tpu.yield
    }) : () -> ()
    %dma_start3A_43 = arith.constant 0 : i32
    %dma_start3A_44 = arith.constant 0 : i32
    %dma_start3A_45 = tpu.memref_slice %arg2[%dma_start3A_43, %dma_start3A_44] : memref<32768x128xf32, #tpu.memory_space<hbm>> -> memref<32768x128xf32, #tpu.memory_space<hbm>>
    tpu.enqueue_indirect_dma source(%dma_start3A_45 : memref<32768x128xf32, #tpu.memory_space<hbm>>) target(%arg6 : memref<512x128xf32, #tpu.memory_space<vmem>>) offsets(%arg5 : memref<512xi32, #tpu.memory_space<vmem>>) semaphore(%arg7 : memref<!tpu.dma_semaphore, #tpu.memory_space<semaphore_mem>>)
    %dma_wait3A_46 = arith.constant 0 : i32
    %dma_wait3A_47 = arith.constant 0 : i32
    %dma_wait3A_48 = tpu.memref_slice %arg2[%dma_wait3A_46, %dma_wait3A_47] : memref<32768x128xf32, #tpu.memory_space<hbm>> -> memref<32768x128xf32, #tpu.memory_space<hbm>>
    tpu.wait_indirect_dma semaphore(%arg7 : memref<!tpu.dma_semaphore, #tpu.memory_space<semaphore_mem>>) src(%dma_wait3A_48 : memref<32768x128xf32, #tpu.memory_space<hbm>>) dst(%arg6 : memref<512x128xf32, #tpu.memory_space<vmem>>)
    "tpu.region"() ({
      %run_scoped3A = tpu.sem_alloc : memref<!tpu.dma_semaphore, #tpu.memory_space<semaphore_mem>>
      %dma_start3A_129 = arith.constant 0 : i32
      %dma_start3A_130 = tpu.memref_slice %arg4[%add3A_42, %dma_start3A_129] : memref<262144x128xf32, #tpu.memory_space<hbm>> -> memref<512x128xf32, #tpu.memory_space<hbm>>
      %dma_start3A_131 = arith.constant 0 : i32
      %dma_start3A_132 = tpu.memref_slice %arg4[%add3A_42, %dma_start3A_131] : memref<262144x128xf32, #tpu.memory_space<hbm>> -> memref<512x128xf32, #tpu.memory_space<hbm>>
      tpu.enqueue_dma source(%arg6 : memref<512x128xf32, #tpu.memory_space<vmem>>) target(%dma_start3A_132 : memref<512x128xf32, #tpu.memory_space<hbm>>) target_semaphore(%run_scoped3A : memref<!tpu.dma_semaphore, #tpu.memory_space<semaphore_mem>>)
      %dma_wait3A_133 = arith.constant 0 : i32
      %dma_wait3A_134 = tpu.memref_slice %arg4[%add3A_42, %dma_wait3A_133] : memref<262144x128xf32, #tpu.memory_space<hbm>> -> memref<512x128xf32, #tpu.memory_space<hbm>>
      %dma_wait3A_135 = arith.constant 0 : i32
      %dma_wait3A_136 = tpu.memref_slice %arg4[%add3A_42, %dma_wait3A_135] : memref<262144x128xf32, #tpu.memory_space<hbm>> -> memref<512x128xf32, #tpu.memory_space<hbm>>
      tpu.wait_dma2 semaphore(%run_scoped3A : memref<!tpu.dma_semaphore, #tpu.memory_space<semaphore_mem>>) src(%arg6 : memref<512x128xf32, #tpu.memory_space<vmem>>) dst(%dma_wait3A_136 : memref<512x128xf32, #tpu.memory_space<hbm>>)
      tpu.yield
    }) : () -> ()
    %add3A_49 = arith.constant 3072 : i32
    %add3A_50 = arith.addi %mul3A_2, %add3A_49 : i32
    "tpu.region"() ({
      %run_scoped3A = tpu.sem_alloc : memref<!tpu.dma_semaphore, #tpu.memory_space<semaphore_mem>>
      %dma_start3A_129 = tpu.memref_slice %arg3[%add3A_50] : memref<262144xi32, #tpu.memory_space<hbm>> -> memref<512xi32, #tpu.memory_space<hbm>>
      %dma_start3A_130 = tpu.memref_slice %arg3[%add3A_50] : memref<262144xi32, #tpu.memory_space<hbm>> -> memref<512xi32, #tpu.memory_space<hbm>>
      tpu.enqueue_dma source(%dma_start3A_130 : memref<512xi32, #tpu.memory_space<hbm>>) target(%arg5 : memref<512xi32, #tpu.memory_space<vmem>>) target_semaphore(%run_scoped3A : memref<!tpu.dma_semaphore, #tpu.memory_space<semaphore_mem>>)
      %dma_wait3A_131 = tpu.memref_slice %arg3[%add3A_50] : memref<262144xi32, #tpu.memory_space<hbm>> -> memref<512xi32, #tpu.memory_space<hbm>>
      %dma_wait3A_132 = tpu.memref_slice %arg3[%add3A_50] : memref<262144xi32, #tpu.memory_space<hbm>> -> memref<512xi32, #tpu.memory_space<hbm>>
      tpu.wait_dma2 semaphore(%run_scoped3A : memref<!tpu.dma_semaphore, #tpu.memory_space<semaphore_mem>>) src(%dma_wait3A_132 : memref<512xi32, #tpu.memory_space<hbm>>) dst(%arg5 : memref<512xi32, #tpu.memory_space<vmem>>)
      tpu.yield
    }) : () -> ()
    %dma_start3A_51 = arith.constant 0 : i32
    %dma_start3A_52 = arith.constant 0 : i32
    %dma_start3A_53 = tpu.memref_slice %arg2[%dma_start3A_51, %dma_start3A_52] : memref<32768x128xf32, #tpu.memory_space<hbm>> -> memref<32768x128xf32, #tpu.memory_space<hbm>>
    tpu.enqueue_indirect_dma source(%dma_start3A_53 : memref<32768x128xf32, #tpu.memory_space<hbm>>) target(%arg6 : memref<512x128xf32, #tpu.memory_space<vmem>>) offsets(%arg5 : memref<512xi32, #tpu.memory_space<vmem>>) semaphore(%arg7 : memref<!tpu.dma_semaphore, #tpu.memory_space<semaphore_mem>>)
    %dma_wait3A_54 = arith.constant 0 : i32
    %dma_wait3A_55 = arith.constant 0 : i32
    %dma_wait3A_56 = tpu.memref_slice %arg2[%dma_wait3A_54, %dma_wait3A_55] : memref<32768x128xf32, #tpu.memory_space<hbm>> -> memref<32768x128xf32, #tpu.memory_space<hbm>>
    tpu.wait_indirect_dma semaphore(%arg7 : memref<!tpu.dma_semaphore, #tpu.memory_space<semaphore_mem>>) src(%dma_wait3A_56 : memref<32768x128xf32, #tpu.memory_space<hbm>>) dst(%arg6 : memref<512x128xf32, #tpu.memory_space<vmem>>)
    "tpu.region"() ({
      %run_scoped3A = tpu.sem_alloc : memref<!tpu.dma_semaphore, #tpu.memory_space<semaphore_mem>>
      %dma_start3A_129 = arith.constant 0 : i32
      %dma_start3A_130 = tpu.memref_slice %arg4[%add3A_50, %dma_start3A_129] : memref<262144x128xf32, #tpu.memory_space<hbm>> -> memref<512x128xf32, #tpu.memory_space<hbm>>
      %dma_start3A_131 = arith.constant 0 : i32
      %dma_start3A_132 = tpu.memref_slice %arg4[%add3A_50, %dma_start3A_131] : memref<262144x128xf32, #tpu.memory_space<hbm>> -> memref<512x128xf32, #tpu.memory_space<hbm>>
      tpu.enqueue_dma source(%arg6 : memref<512x128xf32, #tpu.memory_space<vmem>>) target(%dma_start3A_132 : memref<512x128xf32, #tpu.memory_space<hbm>>) target_semaphore(%run_scoped3A : memref<!tpu.dma_semaphore, #tpu.memory_space<semaphore_mem>>)
      %dma_wait3A_133 = arith.constant 0 : i32
      %dma_wait3A_134 = tpu.memref_slice %arg4[%add3A_50, %dma_wait3A_133] : memref<262144x128xf32, #tpu.memory_space<hbm>> -> memref<512x128xf32, #tpu.memory_space<hbm>>
      %dma_wait3A_135 = arith.constant 0 : i32
      %dma_wait3A_136 = tpu.memref_slice %arg4[%add3A_50, %dma_wait3A_135] : memref<262144x128xf32, #tpu.memory_space<hbm>> -> memref<512x128xf32, #tpu.memory_space<hbm>>
      tpu.wait_dma2 semaphore(%run_scoped3A : memref<!tpu.dma_semaphore, #tpu.memory_space<semaphore_mem>>) src(%arg6 : memref<512x128xf32, #tpu.memory_space<vmem>>) dst(%dma_wait3A_136 : memref<512x128xf32, #tpu.memory_space<hbm>>)
      tpu.yield
    }) : () -> ()
    %add3A_57 = arith.constant 3584 : i32
    %add3A_58 = arith.addi %mul3A_2, %add3A_57 : i32
    "tpu.region"() ({
      %run_scoped3A = tpu.sem_alloc : memref<!tpu.dma_semaphore, #tpu.memory_space<semaphore_mem>>
      %dma_start3A_129 = tpu.memref_slice %arg3[%add3A_58] : memref<262144xi32, #tpu.memory_space<hbm>> -> memref<512xi32, #tpu.memory_space<hbm>>
      %dma_start3A_130 = tpu.memref_slice %arg3[%add3A_58] : memref<262144xi32, #tpu.memory_space<hbm>> -> memref<512xi32, #tpu.memory_space<hbm>>
      tpu.enqueue_dma source(%dma_start3A_130 : memref<512xi32, #tpu.memory_space<hbm>>) target(%arg5 : memref<512xi32, #tpu.memory_space<vmem>>) target_semaphore(%run_scoped3A : memref<!tpu.dma_semaphore, #tpu.memory_space<semaphore_mem>>)
      %dma_wait3A_131 = tpu.memref_slice %arg3[%add3A_58] : memref<262144xi32, #tpu.memory_space<hbm>> -> memref<512xi32, #tpu.memory_space<hbm>>
      %dma_wait3A_132 = tpu.memref_slice %arg3[%add3A_58] : memref<262144xi32, #tpu.memory_space<hbm>> -> memref<512xi32, #tpu.memory_space<hbm>>
      tpu.wait_dma2 semaphore(%run_scoped3A : memref<!tpu.dma_semaphore, #tpu.memory_space<semaphore_mem>>) src(%dma_wait3A_132 : memref<512xi32, #tpu.memory_space<hbm>>) dst(%arg5 : memref<512xi32, #tpu.memory_space<vmem>>)
      tpu.yield
    }) : () -> ()
    %dma_start3A_59 = arith.constant 0 : i32
    %dma_start3A_60 = arith.constant 0 : i32
    %dma_start3A_61 = tpu.memref_slice %arg2[%dma_start3A_59, %dma_start3A_60] : memref<32768x128xf32, #tpu.memory_space<hbm>> -> memref<32768x128xf32, #tpu.memory_space<hbm>>
    tpu.enqueue_indirect_dma source(%dma_start3A_61 : memref<32768x128xf32, #tpu.memory_space<hbm>>) target(%arg6 : memref<512x128xf32, #tpu.memory_space<vmem>>) offsets(%arg5 : memref<512xi32, #tpu.memory_space<vmem>>) semaphore(%arg7 : memref<!tpu.dma_semaphore, #tpu.memory_space<semaphore_mem>>)
    %dma_wait3A_62 = arith.constant 0 : i32
    %dma_wait3A_63 = arith.constant 0 : i32
    %dma_wait3A_64 = tpu.memref_slice %arg2[%dma_wait3A_62, %dma_wait3A_63] : memref<32768x128xf32, #tpu.memory_space<hbm>> -> memref<32768x128xf32, #tpu.memory_space<hbm>>
    tpu.wait_indirect_dma semaphore(%arg7 : memref<!tpu.dma_semaphore, #tpu.memory_space<semaphore_mem>>) src(%dma_wait3A_64 : memref<32768x128xf32, #tpu.memory_space<hbm>>) dst(%arg6 : memref<512x128xf32, #tpu.memory_space<vmem>>)
    "tpu.region"() ({
      %run_scoped3A = tpu.sem_alloc : memref<!tpu.dma_semaphore, #tpu.memory_space<semaphore_mem>>
      %dma_start3A_129 = arith.constant 0 : i32
      %dma_start3A_130 = tpu.memref_slice %arg4[%add3A_58, %dma_start3A_129] : memref<262144x128xf32, #tpu.memory_space<hbm>> -> memref<512x128xf32, #tpu.memory_space<hbm>>
      %dma_start3A_131 = arith.constant 0 : i32
      %dma_start3A_132 = tpu.memref_slice %arg4[%add3A_58, %dma_start3A_131] : memref<262144x128xf32, #tpu.memory_space<hbm>> -> memref<512x128xf32, #tpu.memory_space<hbm>>
      tpu.enqueue_dma source(%arg6 : memref<512x128xf32, #tpu.memory_space<vmem>>) target(%dma_start3A_132 : memref<512x128xf32, #tpu.memory_space<hbm>>) target_semaphore(%run_scoped3A : memref<!tpu.dma_semaphore, #tpu.memory_space<semaphore_mem>>)
      %dma_wait3A_133 = arith.constant 0 : i32
      %dma_wait3A_134 = tpu.memref_slice %arg4[%add3A_58, %dma_wait3A_133] : memref<262144x128xf32, #tpu.memory_space<hbm>> -> memref<512x128xf32, #tpu.memory_space<hbm>>
      %dma_wait3A_135 = arith.constant 0 : i32
      %dma_wait3A_136 = tpu.memref_slice %arg4[%add3A_58, %dma_wait3A_135] : memref<262144x128xf32, #tpu.memory_space<hbm>> -> memref<512x128xf32, #tpu.memory_space<hbm>>
      tpu.wait_dma2 semaphore(%run_scoped3A : memref<!tpu.dma_semaphore, #tpu.memory_space<semaphore_mem>>) src(%arg6 : memref<512x128xf32, #tpu.memory_space<vmem>>) dst(%dma_wait3A_136 : memref<512x128xf32, #tpu.memory_space<hbm>>)
      tpu.yield
    }) : () -> ()
    %add3A_65 = arith.constant 4096 : i32
    %add3A_66 = arith.addi %mul3A_2, %add3A_65 : i32
    "tpu.region"() ({
      %run_scoped3A = tpu.sem_alloc : memref<!tpu.dma_semaphore, #tpu.memory_space<semaphore_mem>>
      %dma_start3A_129 = tpu.memref_slice %arg3[%add3A_66] : memref<262144xi32, #tpu.memory_space<hbm>> -> memref<512xi32, #tpu.memory_space<hbm>>
      %dma_start3A_130 = tpu.memref_slice %arg3[%add3A_66] : memref<262144xi32, #tpu.memory_space<hbm>> -> memref<512xi32, #tpu.memory_space<hbm>>
      tpu.enqueue_dma source(%dma_start3A_130 : memref<512xi32, #tpu.memory_space<hbm>>) target(%arg5 : memref<512xi32, #tpu.memory_space<vmem>>) target_semaphore(%run_scoped3A : memref<!tpu.dma_semaphore, #tpu.memory_space<semaphore_mem>>)
      %dma_wait3A_131 = tpu.memref_slice %arg3[%add3A_66] : memref<262144xi32, #tpu.memory_space<hbm>> -> memref<512xi32, #tpu.memory_space<hbm>>
      %dma_wait3A_132 = tpu.memref_slice %arg3[%add3A_66] : memref<262144xi32, #tpu.memory_space<hbm>> -> memref<512xi32, #tpu.memory_space<hbm>>
      tpu.wait_dma2 semaphore(%run_scoped3A : memref<!tpu.dma_semaphore, #tpu.memory_space<semaphore_mem>>) src(%dma_wait3A_132 : memref<512xi32, #tpu.memory_space<hbm>>) dst(%arg5 : memref<512xi32, #tpu.memory_space<vmem>>)
      tpu.yield
    }) : () -> ()
    %dma_start3A_67 = arith.constant 0 : i32
    %dma_start3A_68 = arith.constant 0 : i32
    %dma_start3A_69 = tpu.memref_slice %arg2[%dma_start3A_67, %dma_start3A_68] : memref<32768x128xf32, #tpu.memory_space<hbm>> -> memref<32768x128xf32, #tpu.memory_space<hbm>>
    tpu.enqueue_indirect_dma source(%dma_start3A_69 : memref<32768x128xf32, #tpu.memory_space<hbm>>) target(%arg6 : memref<512x128xf32, #tpu.memory_space<vmem>>) offsets(%arg5 : memref<512xi32, #tpu.memory_space<vmem>>) semaphore(%arg7 : memref<!tpu.dma_semaphore, #tpu.memory_space<semaphore_mem>>)
    %dma_wait3A_70 = arith.constant 0 : i32
    %dma_wait3A_71 = arith.constant 0 : i32
    %dma_wait3A_72 = tpu.memref_slice %arg2[%dma_wait3A_70, %dma_wait3A_71] : memref<32768x128xf32, #tpu.memory_space<hbm>> -> memref<32768x128xf32, #tpu.memory_space<hbm>>
    tpu.wait_indirect_dma semaphore(%arg7 : memref<!tpu.dma_semaphore, #tpu.memory_space<semaphore_mem>>) src(%dma_wait3A_72 : memref<32768x128xf32, #tpu.memory_space<hbm>>) dst(%arg6 : memref<512x128xf32, #tpu.memory_space<vmem>>)
    "tpu.region"() ({
      %run_scoped3A = tpu.sem_alloc : memref<!tpu.dma_semaphore, #tpu.memory_space<semaphore_mem>>
      %dma_start3A_129 = arith.constant 0 : i32
      %dma_start3A_130 = tpu.memref_slice %arg4[%add3A_66, %dma_start3A_129] : memref<262144x128xf32, #tpu.memory_space<hbm>> -> memref<512x128xf32, #tpu.memory_space<hbm>>
      %dma_start3A_131 = arith.constant 0 : i32
      %dma_start3A_132 = tpu.memref_slice %arg4[%add3A_66, %dma_start3A_131] : memref<262144x128xf32, #tpu.memory_space<hbm>> -> memref<512x128xf32, #tpu.memory_space<hbm>>
      tpu.enqueue_dma source(%arg6 : memref<512x128xf32, #tpu.memory_space<vmem>>) target(%dma_start3A_132 : memref<512x128xf32, #tpu.memory_space<hbm>>) target_semaphore(%run_scoped3A : memref<!tpu.dma_semaphore, #tpu.memory_space<semaphore_mem>>)
      %dma_wait3A_133 = arith.constant 0 : i32
      %dma_wait3A_134 = tpu.memref_slice %arg4[%add3A_66, %dma_wait3A_133] : memref<262144x128xf32, #tpu.memory_space<hbm>> -> memref<512x128xf32, #tpu.memory_space<hbm>>
      %dma_wait3A_135 = arith.constant 0 : i32
      %dma_wait3A_136 = tpu.memref_slice %arg4[%add3A_66, %dma_wait3A_135] : memref<262144x128xf32, #tpu.memory_space<hbm>> -> memref<512x128xf32, #tpu.memory_space<hbm>>
      tpu.wait_dma2 semaphore(%run_scoped3A : memref<!tpu.dma_semaphore, #tpu.memory_space<semaphore_mem>>) src(%arg6 : memref<512x128xf32, #tpu.memory_space<vmem>>) dst(%dma_wait3A_136 : memref<512x128xf32, #tpu.memory_space<hbm>>)
      tpu.yield
    }) : () -> ()
    %add3A_73 = arith.constant 4608 : i32
    %add3A_74 = arith.addi %mul3A_2, %add3A_73 : i32
    "tpu.region"() ({
      %run_scoped3A = tpu.sem_alloc : memref<!tpu.dma_semaphore, #tpu.memory_space<semaphore_mem>>
      %dma_start3A_129 = tpu.memref_slice %arg3[%add3A_74] : memref<262144xi32, #tpu.memory_space<hbm>> -> memref<512xi32, #tpu.memory_space<hbm>>
      %dma_start3A_130 = tpu.memref_slice %arg3[%add3A_74] : memref<262144xi32, #tpu.memory_space<hbm>> -> memref<512xi32, #tpu.memory_space<hbm>>
      tpu.enqueue_dma source(%dma_start3A_130 : memref<512xi32, #tpu.memory_space<hbm>>) target(%arg5 : memref<512xi32, #tpu.memory_space<vmem>>) target_semaphore(%run_scoped3A : memref<!tpu.dma_semaphore, #tpu.memory_space<semaphore_mem>>)
      %dma_wait3A_131 = tpu.memref_slice %arg3[%add3A_74] : memref<262144xi32, #tpu.memory_space<hbm>> -> memref<512xi32, #tpu.memory_space<hbm>>
      %dma_wait3A_132 = tpu.memref_slice %arg3[%add3A_74] : memref<262144xi32, #tpu.memory_space<hbm>> -> memref<512xi32, #tpu.memory_space<hbm>>
      tpu.wait_dma2 semaphore(%run_scoped3A : memref<!tpu.dma_semaphore, #tpu.memory_space<semaphore_mem>>) src(%dma_wait3A_132 : memref<512xi32, #tpu.memory_space<hbm>>) dst(%arg5 : memref<512xi32, #tpu.memory_space<vmem>>)
      tpu.yield
    }) : () -> ()
    %dma_start3A_75 = arith.constant 0 : i32
    %dma_start3A_76 = arith.constant 0 : i32
    %dma_start3A_77 = tpu.memref_slice %arg2[%dma_start3A_75, %dma_start3A_76] : memref<32768x128xf32, #tpu.memory_space<hbm>> -> memref<32768x128xf32, #tpu.memory_space<hbm>>
    tpu.enqueue_indirect_dma source(%dma_start3A_77 : memref<32768x128xf32, #tpu.memory_space<hbm>>) target(%arg6 : memref<512x128xf32, #tpu.memory_space<vmem>>) offsets(%arg5 : memref<512xi32, #tpu.memory_space<vmem>>) semaphore(%arg7 : memref<!tpu.dma_semaphore, #tpu.memory_space<semaphore_mem>>)
    %dma_wait3A_78 = arith.constant 0 : i32
    %dma_wait3A_79 = arith.constant 0 : i32
    %dma_wait3A_80 = tpu.memref_slice %arg2[%dma_wait3A_78, %dma_wait3A_79] : memref<32768x128xf32, #tpu.memory_space<hbm>> -> memref<32768x128xf32, #tpu.memory_space<hbm>>
    tpu.wait_indirect_dma semaphore(%arg7 : memref<!tpu.dma_semaphore, #tpu.memory_space<semaphore_mem>>) src(%dma_wait3A_80 : memref<32768x128xf32, #tpu.memory_space<hbm>>) dst(%arg6 : memref<512x128xf32, #tpu.memory_space<vmem>>)
    "tpu.region"() ({
      %run_scoped3A = tpu.sem_alloc : memref<!tpu.dma_semaphore, #tpu.memory_space<semaphore_mem>>
      %dma_start3A_129 = arith.constant 0 : i32
      %dma_start3A_130 = tpu.memref_slice %arg4[%add3A_74, %dma_start3A_129] : memref<262144x128xf32, #tpu.memory_space<hbm>> -> memref<512x128xf32, #tpu.memory_space<hbm>>
      %dma_start3A_131 = arith.constant 0 : i32
      %dma_start3A_132 = tpu.memref_slice %arg4[%add3A_74, %dma_start3A_131] : memref<262144x128xf32, #tpu.memory_space<hbm>> -> memref<512x128xf32, #tpu.memory_space<hbm>>
      tpu.enqueue_dma source(%arg6 : memref<512x128xf32, #tpu.memory_space<vmem>>) target(%dma_start3A_132 : memref<512x128xf32, #tpu.memory_space<hbm>>) target_semaphore(%run_scoped3A : memref<!tpu.dma_semaphore, #tpu.memory_space<semaphore_mem>>)
      %dma_wait3A_133 = arith.constant 0 : i32
      %dma_wait3A_134 = tpu.memref_slice %arg4[%add3A_74, %dma_wait3A_133] : memref<262144x128xf32, #tpu.memory_space<hbm>> -> memref<512x128xf32, #tpu.memory_space<hbm>>
      %dma_wait3A_135 = arith.constant 0 : i32
      %dma_wait3A_136 = tpu.memref_slice %arg4[%add3A_74, %dma_wait3A_135] : memref<262144x128xf32, #tpu.memory_space<hbm>> -> memref<512x128xf32, #tpu.memory_space<hbm>>
      tpu.wait_dma2 semaphore(%run_scoped3A : memref<!tpu.dma_semaphore, #tpu.memory_space<semaphore_mem>>) src(%arg6 : memref<512x128xf32, #tpu.memory_space<vmem>>) dst(%dma_wait3A_136 : memref<512x128xf32, #tpu.memory_space<hbm>>)
      tpu.yield
    }) : () -> ()
    %add3A_81 = arith.constant 5120 : i32
    %add3A_82 = arith.addi %mul3A_2, %add3A_81 : i32
    "tpu.region"() ({
      %run_scoped3A = tpu.sem_alloc : memref<!tpu.dma_semaphore, #tpu.memory_space<semaphore_mem>>
      %dma_start3A_129 = tpu.memref_slice %arg3[%add3A_82] : memref<262144xi32, #tpu.memory_space<hbm>> -> memref<512xi32, #tpu.memory_space<hbm>>
      %dma_start3A_130 = tpu.memref_slice %arg3[%add3A_82] : memref<262144xi32, #tpu.memory_space<hbm>> -> memref<512xi32, #tpu.memory_space<hbm>>
      tpu.enqueue_dma source(%dma_start3A_130 : memref<512xi32, #tpu.memory_space<hbm>>) target(%arg5 : memref<512xi32, #tpu.memory_space<vmem>>) target_semaphore(%run_scoped3A : memref<!tpu.dma_semaphore, #tpu.memory_space<semaphore_mem>>)
      %dma_wait3A_131 = tpu.memref_slice %arg3[%add3A_82] : memref<262144xi32, #tpu.memory_space<hbm>> -> memref<512xi32, #tpu.memory_space<hbm>>
      %dma_wait3A_132 = tpu.memref_slice %arg3[%add3A_82] : memref<262144xi32, #tpu.memory_space<hbm>> -> memref<512xi32, #tpu.memory_space<hbm>>
      tpu.wait_dma2 semaphore(%run_scoped3A : memref<!tpu.dma_semaphore, #tpu.memory_space<semaphore_mem>>) src(%dma_wait3A_132 : memref<512xi32, #tpu.memory_space<hbm>>) dst(%arg5 : memref<512xi32, #tpu.memory_space<vmem>>)
      tpu.yield
    }) : () -> ()
    %dma_start3A_83 = arith.constant 0 : i32
    %dma_start3A_84 = arith.constant 0 : i32
    %dma_start3A_85 = tpu.memref_slice %arg2[%dma_start3A_83, %dma_start3A_84] : memref<32768x128xf32, #tpu.memory_space<hbm>> -> memref<32768x128xf32, #tpu.memory_space<hbm>>
    tpu.enqueue_indirect_dma source(%dma_start3A_85 : memref<32768x128xf32, #tpu.memory_space<hbm>>) target(%arg6 : memref<512x128xf32, #tpu.memory_space<vmem>>) offsets(%arg5 : memref<512xi32, #tpu.memory_space<vmem>>) semaphore(%arg7 : memref<!tpu.dma_semaphore, #tpu.memory_space<semaphore_mem>>)
    %dma_wait3A_86 = arith.constant 0 : i32
    %dma_wait3A_87 = arith.constant 0 : i32
    %dma_wait3A_88 = tpu.memref_slice %arg2[%dma_wait3A_86, %dma_wait3A_87] : memref<32768x128xf32, #tpu.memory_space<hbm>> -> memref<32768x128xf32, #tpu.memory_space<hbm>>
    tpu.wait_indirect_dma semaphore(%arg7 : memref<!tpu.dma_semaphore, #tpu.memory_space<semaphore_mem>>) src(%dma_wait3A_88 : memref<32768x128xf32, #tpu.memory_space<hbm>>) dst(%arg6 : memref<512x128xf32, #tpu.memory_space<vmem>>)
    "tpu.region"() ({
      %run_scoped3A = tpu.sem_alloc : memref<!tpu.dma_semaphore, #tpu.memory_space<semaphore_mem>>
      %dma_start3A_129 = arith.constant 0 : i32
      %dma_start3A_130 = tpu.memref_slice %arg4[%add3A_82, %dma_start3A_129] : memref<262144x128xf32, #tpu.memory_space<hbm>> -> memref<512x128xf32, #tpu.memory_space<hbm>>
      %dma_start3A_131 = arith.constant 0 : i32
      %dma_start3A_132 = tpu.memref_slice %arg4[%add3A_82, %dma_start3A_131] : memref<262144x128xf32, #tpu.memory_space<hbm>> -> memref<512x128xf32, #tpu.memory_space<hbm>>
      tpu.enqueue_dma source(%arg6 : memref<512x128xf32, #tpu.memory_space<vmem>>) target(%dma_start3A_132 : memref<512x128xf32, #tpu.memory_space<hbm>>) target_semaphore(%run_scoped3A : memref<!tpu.dma_semaphore, #tpu.memory_space<semaphore_mem>>)
      %dma_wait3A_133 = arith.constant 0 : i32
      %dma_wait3A_134 = tpu.memref_slice %arg4[%add3A_82, %dma_wait3A_133] : memref<262144x128xf32, #tpu.memory_space<hbm>> -> memref<512x128xf32, #tpu.memory_space<hbm>>
      %dma_wait3A_135 = arith.constant 0 : i32
      %dma_wait3A_136 = tpu.memref_slice %arg4[%add3A_82, %dma_wait3A_135] : memref<262144x128xf32, #tpu.memory_space<hbm>> -> memref<512x128xf32, #tpu.memory_space<hbm>>
      tpu.wait_dma2 semaphore(%run_scoped3A : memref<!tpu.dma_semaphore, #tpu.memory_space<semaphore_mem>>) src(%arg6 : memref<512x128xf32, #tpu.memory_space<vmem>>) dst(%dma_wait3A_136 : memref<512x128xf32, #tpu.memory_space<hbm>>)
      tpu.yield
    }) : () -> ()
    %add3A_89 = arith.constant 5632 : i32
    %add3A_90 = arith.addi %mul3A_2, %add3A_89 : i32
    "tpu.region"() ({
      %run_scoped3A = tpu.sem_alloc : memref<!tpu.dma_semaphore, #tpu.memory_space<semaphore_mem>>
      %dma_start3A_129 = tpu.memref_slice %arg3[%add3A_90] : memref<262144xi32, #tpu.memory_space<hbm>> -> memref<512xi32, #tpu.memory_space<hbm>>
      %dma_start3A_130 = tpu.memref_slice %arg3[%add3A_90] : memref<262144xi32, #tpu.memory_space<hbm>> -> memref<512xi32, #tpu.memory_space<hbm>>
      tpu.enqueue_dma source(%dma_start3A_130 : memref<512xi32, #tpu.memory_space<hbm>>) target(%arg5 : memref<512xi32, #tpu.memory_space<vmem>>) target_semaphore(%run_scoped3A : memref<!tpu.dma_semaphore, #tpu.memory_space<semaphore_mem>>)
      %dma_wait3A_131 = tpu.memref_slice %arg3[%add3A_90] : memref<262144xi32, #tpu.memory_space<hbm>> -> memref<512xi32, #tpu.memory_space<hbm>>
      %dma_wait3A_132 = tpu.memref_slice %arg3[%add3A_90] : memref<262144xi32, #tpu.memory_space<hbm>> -> memref<512xi32, #tpu.memory_space<hbm>>
      tpu.wait_dma2 semaphore(%run_scoped3A : memref<!tpu.dma_semaphore, #tpu.memory_space<semaphore_mem>>) src(%dma_wait3A_132 : memref<512xi32, #tpu.memory_space<hbm>>) dst(%arg5 : memref<512xi32, #tpu.memory_space<vmem>>)
      tpu.yield
    }) : () -> ()
    %dma_start3A_91 = arith.constant 0 : i32
    %dma_start3A_92 = arith.constant 0 : i32
    %dma_start3A_93 = tpu.memref_slice %arg2[%dma_start3A_91, %dma_start3A_92] : memref<32768x128xf32, #tpu.memory_space<hbm>> -> memref<32768x128xf32, #tpu.memory_space<hbm>>
    tpu.enqueue_indirect_dma source(%dma_start3A_93 : memref<32768x128xf32, #tpu.memory_space<hbm>>) target(%arg6 : memref<512x128xf32, #tpu.memory_space<vmem>>) offsets(%arg5 : memref<512xi32, #tpu.memory_space<vmem>>) semaphore(%arg7 : memref<!tpu.dma_semaphore, #tpu.memory_space<semaphore_mem>>)
    %dma_wait3A_94 = arith.constant 0 : i32
    %dma_wait3A_95 = arith.constant 0 : i32
    %dma_wait3A_96 = tpu.memref_slice %arg2[%dma_wait3A_94, %dma_wait3A_95] : memref<32768x128xf32, #tpu.memory_space<hbm>> -> memref<32768x128xf32, #tpu.memory_space<hbm>>
    tpu.wait_indirect_dma semaphore(%arg7 : memref<!tpu.dma_semaphore, #tpu.memory_space<semaphore_mem>>) src(%dma_wait3A_96 : memref<32768x128xf32, #tpu.memory_space<hbm>>) dst(%arg6 : memref<512x128xf32, #tpu.memory_space<vmem>>)
    "tpu.region"() ({
      %run_scoped3A = tpu.sem_alloc : memref<!tpu.dma_semaphore, #tpu.memory_space<semaphore_mem>>
      %dma_start3A_129 = arith.constant 0 : i32
      %dma_start3A_130 = tpu.memref_slice %arg4[%add3A_90, %dma_start3A_129] : memref<262144x128xf32, #tpu.memory_space<hbm>> -> memref<512x128xf32, #tpu.memory_space<hbm>>
      %dma_start3A_131 = arith.constant 0 : i32
      %dma_start3A_132 = tpu.memref_slice %arg4[%add3A_90, %dma_start3A_131] : memref<262144x128xf32, #tpu.memory_space<hbm>> -> memref<512x128xf32, #tpu.memory_space<hbm>>
      tpu.enqueue_dma source(%arg6 : memref<512x128xf32, #tpu.memory_space<vmem>>) target(%dma_start3A_132 : memref<512x128xf32, #tpu.memory_space<hbm>>) target_semaphore(%run_scoped3A : memref<!tpu.dma_semaphore, #tpu.memory_space<semaphore_mem>>)
      %dma_wait3A_133 = arith.constant 0 : i32
      %dma_wait3A_134 = tpu.memref_slice %arg4[%add3A_90, %dma_wait3A_133] : memref<262144x128xf32, #tpu.memory_space<hbm>> -> memref<512x128xf32, #tpu.memory_space<hbm>>
      %dma_wait3A_135 = arith.constant 0 : i32
      %dma_wait3A_136 = tpu.memref_slice %arg4[%add3A_90, %dma_wait3A_135] : memref<262144x128xf32, #tpu.memory_space<hbm>> -> memref<512x128xf32, #tpu.memory_space<hbm>>
      tpu.wait_dma2 semaphore(%run_scoped3A : memref<!tpu.dma_semaphore, #tpu.memory_space<semaphore_mem>>) src(%arg6 : memref<512x128xf32, #tpu.memory_space<vmem>>) dst(%dma_wait3A_136 : memref<512x128xf32, #tpu.memory_space<hbm>>)
      tpu.yield
    }) : () -> ()
    %add3A_97 = arith.constant 6144 : i32
    %add3A_98 = arith.addi %mul3A_2, %add3A_97 : i32
    "tpu.region"() ({
      %run_scoped3A = tpu.sem_alloc : memref<!tpu.dma_semaphore, #tpu.memory_space<semaphore_mem>>
      %dma_start3A_129 = tpu.memref_slice %arg3[%add3A_98] : memref<262144xi32, #tpu.memory_space<hbm>> -> memref<512xi32, #tpu.memory_space<hbm>>
      %dma_start3A_130 = tpu.memref_slice %arg3[%add3A_98] : memref<262144xi32, #tpu.memory_space<hbm>> -> memref<512xi32, #tpu.memory_space<hbm>>
      tpu.enqueue_dma source(%dma_start3A_130 : memref<512xi32, #tpu.memory_space<hbm>>) target(%arg5 : memref<512xi32, #tpu.memory_space<vmem>>) target_semaphore(%run_scoped3A : memref<!tpu.dma_semaphore, #tpu.memory_space<semaphore_mem>>)
      %dma_wait3A_131 = tpu.memref_slice %arg3[%add3A_98] : memref<262144xi32, #tpu.memory_space<hbm>> -> memref<512xi32, #tpu.memory_space<hbm>>
      %dma_wait3A_132 = tpu.memref_slice %arg3[%add3A_98] : memref<262144xi32, #tpu.memory_space<hbm>> -> memref<512xi32, #tpu.memory_space<hbm>>
      tpu.wait_dma2 semaphore(%run_scoped3A : memref<!tpu.dma_semaphore, #tpu.memory_space<semaphore_mem>>) src(%dma_wait3A_132 : memref<512xi32, #tpu.memory_space<hbm>>) dst(%arg5 : memref<512xi32, #tpu.memory_space<vmem>>)
      tpu.yield
    }) : () -> ()
    %dma_start3A_99 = arith.constant 0 : i32
    %dma_start3A_100 = arith.constant 0 : i32
    %dma_start3A_101 = tpu.memref_slice %arg2[%dma_start3A_99, %dma_start3A_100] : memref<32768x128xf32, #tpu.memory_space<hbm>> -> memref<32768x128xf32, #tpu.memory_space<hbm>>
    tpu.enqueue_indirect_dma source(%dma_start3A_101 : memref<32768x128xf32, #tpu.memory_space<hbm>>) target(%arg6 : memref<512x128xf32, #tpu.memory_space<vmem>>) offsets(%arg5 : memref<512xi32, #tpu.memory_space<vmem>>) semaphore(%arg7 : memref<!tpu.dma_semaphore, #tpu.memory_space<semaphore_mem>>)
    %dma_wait3A_102 = arith.constant 0 : i32
    %dma_wait3A_103 = arith.constant 0 : i32
    %dma_wait3A_104 = tpu.memref_slice %arg2[%dma_wait3A_102, %dma_wait3A_103] : memref<32768x128xf32, #tpu.memory_space<hbm>> -> memref<32768x128xf32, #tpu.memory_space<hbm>>
    tpu.wait_indirect_dma semaphore(%arg7 : memref<!tpu.dma_semaphore, #tpu.memory_space<semaphore_mem>>) src(%dma_wait3A_104 : memref<32768x128xf32, #tpu.memory_space<hbm>>) dst(%arg6 : memref<512x128xf32, #tpu.memory_space<vmem>>)
    "tpu.region"() ({
      %run_scoped3A = tpu.sem_alloc : memref<!tpu.dma_semaphore, #tpu.memory_space<semaphore_mem>>
      %dma_start3A_129 = arith.constant 0 : i32
      %dma_start3A_130 = tpu.memref_slice %arg4[%add3A_98, %dma_start3A_129] : memref<262144x128xf32, #tpu.memory_space<hbm>> -> memref<512x128xf32, #tpu.memory_space<hbm>>
      %dma_start3A_131 = arith.constant 0 : i32
      %dma_start3A_132 = tpu.memref_slice %arg4[%add3A_98, %dma_start3A_131] : memref<262144x128xf32, #tpu.memory_space<hbm>> -> memref<512x128xf32, #tpu.memory_space<hbm>>
      tpu.enqueue_dma source(%arg6 : memref<512x128xf32, #tpu.memory_space<vmem>>) target(%dma_start3A_132 : memref<512x128xf32, #tpu.memory_space<hbm>>) target_semaphore(%run_scoped3A : memref<!tpu.dma_semaphore, #tpu.memory_space<semaphore_mem>>)
      %dma_wait3A_133 = arith.constant 0 : i32
      %dma_wait3A_134 = tpu.memref_slice %arg4[%add3A_98, %dma_wait3A_133] : memref<262144x128xf32, #tpu.memory_space<hbm>> -> memref<512x128xf32, #tpu.memory_space<hbm>>
      %dma_wait3A_135 = arith.constant 0 : i32
      %dma_wait3A_136 = tpu.memref_slice %arg4[%add3A_98, %dma_wait3A_135] : memref<262144x128xf32, #tpu.memory_space<hbm>> -> memref<512x128xf32, #tpu.memory_space<hbm>>
      tpu.wait_dma2 semaphore(%run_scoped3A : memref<!tpu.dma_semaphore, #tpu.memory_space<semaphore_mem>>) src(%arg6 : memref<512x128xf32, #tpu.memory_space<vmem>>) dst(%dma_wait3A_136 : memref<512x128xf32, #tpu.memory_space<hbm>>)
      tpu.yield
    }) : () -> ()
    %add3A_105 = arith.constant 6656 : i32
    %add3A_106 = arith.addi %mul3A_2, %add3A_105 : i32
    "tpu.region"() ({
      %run_scoped3A = tpu.sem_alloc : memref<!tpu.dma_semaphore, #tpu.memory_space<semaphore_mem>>
      %dma_start3A_129 = tpu.memref_slice %arg3[%add3A_106] : memref<262144xi32, #tpu.memory_space<hbm>> -> memref<512xi32, #tpu.memory_space<hbm>>
      %dma_start3A_130 = tpu.memref_slice %arg3[%add3A_106] : memref<262144xi32, #tpu.memory_space<hbm>> -> memref<512xi32, #tpu.memory_space<hbm>>
      tpu.enqueue_dma source(%dma_start3A_130 : memref<512xi32, #tpu.memory_space<hbm>>) target(%arg5 : memref<512xi32, #tpu.memory_space<vmem>>) target_semaphore(%run_scoped3A : memref<!tpu.dma_semaphore, #tpu.memory_space<semaphore_mem>>)
      %dma_wait3A_131 = tpu.memref_slice %arg3[%add3A_106] : memref<262144xi32, #tpu.memory_space<hbm>> -> memref<512xi32, #tpu.memory_space<hbm>>
      %dma_wait3A_132 = tpu.memref_slice %arg3[%add3A_106] : memref<262144xi32, #tpu.memory_space<hbm>> -> memref<512xi32, #tpu.memory_space<hbm>>
      tpu.wait_dma2 semaphore(%run_scoped3A : memref<!tpu.dma_semaphore, #tpu.memory_space<semaphore_mem>>) src(%dma_wait3A_132 : memref<512xi32, #tpu.memory_space<hbm>>) dst(%arg5 : memref<512xi32, #tpu.memory_space<vmem>>)
      tpu.yield
    }) : () -> ()
    %dma_start3A_107 = arith.constant 0 : i32
    %dma_start3A_108 = arith.constant 0 : i32
    %dma_start3A_109 = tpu.memref_slice %arg2[%dma_start3A_107, %dma_start3A_108] : memref<32768x128xf32, #tpu.memory_space<hbm>> -> memref<32768x128xf32, #tpu.memory_space<hbm>>
    tpu.enqueue_indirect_dma source(%dma_start3A_109 : memref<32768x128xf32, #tpu.memory_space<hbm>>) target(%arg6 : memref<512x128xf32, #tpu.memory_space<vmem>>) offsets(%arg5 : memref<512xi32, #tpu.memory_space<vmem>>) semaphore(%arg7 : memref<!tpu.dma_semaphore, #tpu.memory_space<semaphore_mem>>)
    %dma_wait3A_110 = arith.constant 0 : i32
    %dma_wait3A_111 = arith.constant 0 : i32
    %dma_wait3A_112 = tpu.memref_slice %arg2[%dma_wait3A_110, %dma_wait3A_111] : memref<32768x128xf32, #tpu.memory_space<hbm>> -> memref<32768x128xf32, #tpu.memory_space<hbm>>
    tpu.wait_indirect_dma semaphore(%arg7 : memref<!tpu.dma_semaphore, #tpu.memory_space<semaphore_mem>>) src(%dma_wait3A_112 : memref<32768x128xf32, #tpu.memory_space<hbm>>) dst(%arg6 : memref<512x128xf32, #tpu.memory_space<vmem>>)
    "tpu.region"() ({
      %run_scoped3A = tpu.sem_alloc : memref<!tpu.dma_semaphore, #tpu.memory_space<semaphore_mem>>
      %dma_start3A_129 = arith.constant 0 : i32
      %dma_start3A_130 = tpu.memref_slice %arg4[%add3A_106, %dma_start3A_129] : memref<262144x128xf32, #tpu.memory_space<hbm>> -> memref<512x128xf32, #tpu.memory_space<hbm>>
      %dma_start3A_131 = arith.constant 0 : i32
      %dma_start3A_132 = tpu.memref_slice %arg4[%add3A_106, %dma_start3A_131] : memref<262144x128xf32, #tpu.memory_space<hbm>> -> memref<512x128xf32, #tpu.memory_space<hbm>>
      tpu.enqueue_dma source(%arg6 : memref<512x128xf32, #tpu.memory_space<vmem>>) target(%dma_start3A_132 : memref<512x128xf32, #tpu.memory_space<hbm>>) target_semaphore(%run_scoped3A : memref<!tpu.dma_semaphore, #tpu.memory_space<semaphore_mem>>)
      %dma_wait3A_133 = arith.constant 0 : i32
      %dma_wait3A_134 = tpu.memref_slice %arg4[%add3A_106, %dma_wait3A_133] : memref<262144x128xf32, #tpu.memory_space<hbm>> -> memref<512x128xf32, #tpu.memory_space<hbm>>
      %dma_wait3A_135 = arith.constant 0 : i32
      %dma_wait3A_136 = tpu.memref_slice %arg4[%add3A_106, %dma_wait3A_135] : memref<262144x128xf32, #tpu.memory_space<hbm>> -> memref<512x128xf32, #tpu.memory_space<hbm>>
      tpu.wait_dma2 semaphore(%run_scoped3A : memref<!tpu.dma_semaphore, #tpu.memory_space<semaphore_mem>>) src(%arg6 : memref<512x128xf32, #tpu.memory_space<vmem>>) dst(%dma_wait3A_136 : memref<512x128xf32, #tpu.memory_space<hbm>>)
      tpu.yield
    }) : () -> ()
    %add3A_113 = arith.constant 7168 : i32
    %add3A_114 = arith.addi %mul3A_2, %add3A_113 : i32
    "tpu.region"() ({
      %run_scoped3A = tpu.sem_alloc : memref<!tpu.dma_semaphore, #tpu.memory_space<semaphore_mem>>
      %dma_start3A_129 = tpu.memref_slice %arg3[%add3A_114] : memref<262144xi32, #tpu.memory_space<hbm>> -> memref<512xi32, #tpu.memory_space<hbm>>
      %dma_start3A_130 = tpu.memref_slice %arg3[%add3A_114] : memref<262144xi32, #tpu.memory_space<hbm>> -> memref<512xi32, #tpu.memory_space<hbm>>
      tpu.enqueue_dma source(%dma_start3A_130 : memref<512xi32, #tpu.memory_space<hbm>>) target(%arg5 : memref<512xi32, #tpu.memory_space<vmem>>) target_semaphore(%run_scoped3A : memref<!tpu.dma_semaphore, #tpu.memory_space<semaphore_mem>>)
      %dma_wait3A_131 = tpu.memref_slice %arg3[%add3A_114] : memref<262144xi32, #tpu.memory_space<hbm>> -> memref<512xi32, #tpu.memory_space<hbm>>
      %dma_wait3A_132 = tpu.memref_slice %arg3[%add3A_114] : memref<262144xi32, #tpu.memory_space<hbm>> -> memref<512xi32, #tpu.memory_space<hbm>>
      tpu.wait_dma2 semaphore(%run_scoped3A : memref<!tpu.dma_semaphore, #tpu.memory_space<semaphore_mem>>) src(%dma_wait3A_132 : memref<512xi32, #tpu.memory_space<hbm>>) dst(%arg5 : memref<512xi32, #tpu.memory_space<vmem>>)
      tpu.yield
    }) : () -> ()
    %dma_start3A_115 = arith.constant 0 : i32
    %dma_start3A_116 = arith.constant 0 : i32
    %dma_start3A_117 = tpu.memref_slice %arg2[%dma_start3A_115, %dma_start3A_116] : memref<32768x128xf32, #tpu.memory_space<hbm>> -> memref<32768x128xf32, #tpu.memory_space<hbm>>
    tpu.enqueue_indirect_dma source(%dma_start3A_117 : memref<32768x128xf32, #tpu.memory_space<hbm>>) target(%arg6 : memref<512x128xf32, #tpu.memory_space<vmem>>) offsets(%arg5 : memref<512xi32, #tpu.memory_space<vmem>>) semaphore(%arg7 : memref<!tpu.dma_semaphore, #tpu.memory_space<semaphore_mem>>)
    %dma_wait3A_118 = arith.constant 0 : i32
    %dma_wait3A_119 = arith.constant 0 : i32
    %dma_wait3A_120 = tpu.memref_slice %arg2[%dma_wait3A_118, %dma_wait3A_119] : memref<32768x128xf32, #tpu.memory_space<hbm>> -> memref<32768x128xf32, #tpu.memory_space<hbm>>
    tpu.wait_indirect_dma semaphore(%arg7 : memref<!tpu.dma_semaphore, #tpu.memory_space<semaphore_mem>>) src(%dma_wait3A_120 : memref<32768x128xf32, #tpu.memory_space<hbm>>) dst(%arg6 : memref<512x128xf32, #tpu.memory_space<vmem>>)
    "tpu.region"() ({
      %run_scoped3A = tpu.sem_alloc : memref<!tpu.dma_semaphore, #tpu.memory_space<semaphore_mem>>
      %dma_start3A_129 = arith.constant 0 : i32
      %dma_start3A_130 = tpu.memref_slice %arg4[%add3A_114, %dma_start3A_129] : memref<262144x128xf32, #tpu.memory_space<hbm>> -> memref<512x128xf32, #tpu.memory_space<hbm>>
      %dma_start3A_131 = arith.constant 0 : i32
      %dma_start3A_132 = tpu.memref_slice %arg4[%add3A_114, %dma_start3A_131] : memref<262144x128xf32, #tpu.memory_space<hbm>> -> memref<512x128xf32, #tpu.memory_space<hbm>>
      tpu.enqueue_dma source(%arg6 : memref<512x128xf32, #tpu.memory_space<vmem>>) target(%dma_start3A_132 : memref<512x128xf32, #tpu.memory_space<hbm>>) target_semaphore(%run_scoped3A : memref<!tpu.dma_semaphore, #tpu.memory_space<semaphore_mem>>)
      %dma_wait3A_133 = arith.constant 0 : i32
      %dma_wait3A_134 = tpu.memref_slice %arg4[%add3A_114, %dma_wait3A_133] : memref<262144x128xf32, #tpu.memory_space<hbm>> -> memref<512x128xf32, #tpu.memory_space<hbm>>
      %dma_wait3A_135 = arith.constant 0 : i32
      %dma_wait3A_136 = tpu.memref_slice %arg4[%add3A_114, %dma_wait3A_135] : memref<262144x128xf32, #tpu.memory_space<hbm>> -> memref<512x128xf32, #tpu.memory_space<hbm>>
      tpu.wait_dma2 semaphore(%run_scoped3A : memref<!tpu.dma_semaphore, #tpu.memory_space<semaphore_mem>>) src(%arg6 : memref<512x128xf32, #tpu.memory_space<vmem>>) dst(%dma_wait3A_136 : memref<512x128xf32, #tpu.memory_space<hbm>>)
      tpu.yield
    }) : () -> ()
    %add3A_121 = arith.constant 7680 : i32
    %add3A_122 = arith.addi %mul3A_2, %add3A_121 : i32
    "tpu.region"() ({
      %run_scoped3A = tpu.sem_alloc : memref<!tpu.dma_semaphore, #tpu.memory_space<semaphore_mem>>
      %dma_start3A_129 = tpu.memref_slice %arg3[%add3A_122] : memref<262144xi32, #tpu.memory_space<hbm>> -> memref<512xi32, #tpu.memory_space<hbm>>
      %dma_start3A_130 = tpu.memref_slice %arg3[%add3A_122] : memref<262144xi32, #tpu.memory_space<hbm>> -> memref<512xi32, #tpu.memory_space<hbm>>
      tpu.enqueue_dma source(%dma_start3A_130 : memref<512xi32, #tpu.memory_space<hbm>>) target(%arg5 : memref<512xi32, #tpu.memory_space<vmem>>) target_semaphore(%run_scoped3A : memref<!tpu.dma_semaphore, #tpu.memory_space<semaphore_mem>>)
      %dma_wait3A_131 = tpu.memref_slice %arg3[%add3A_122] : memref<262144xi32, #tpu.memory_space<hbm>> -> memref<512xi32, #tpu.memory_space<hbm>>
      %dma_wait3A_132 = tpu.memref_slice %arg3[%add3A_122] : memref<262144xi32, #tpu.memory_space<hbm>> -> memref<512xi32, #tpu.memory_space<hbm>>
      tpu.wait_dma2 semaphore(%run_scoped3A : memref<!tpu.dma_semaphore, #tpu.memory_space<semaphore_mem>>) src(%dma_wait3A_132 : memref<512xi32, #tpu.memory_space<hbm>>) dst(%arg5 : memref<512xi32, #tpu.memory_space<vmem>>)
      tpu.yield
    }) : () -> ()
    %dma_start3A_123 = arith.constant 0 : i32
    %dma_start3A_124 = arith.constant 0 : i32
    %dma_start3A_125 = tpu.memref_slice %arg2[%dma_start3A_123, %dma_start3A_124] : memref<32768x128xf32, #tpu.memory_space<hbm>> -> memref<32768x128xf32, #tpu.memory_space<hbm>>
    tpu.enqueue_indirect_dma source(%dma_start3A_125 : memref<32768x128xf32, #tpu.memory_space<hbm>>) target(%arg6 : memref<512x128xf32, #tpu.memory_space<vmem>>) offsets(%arg5 : memref<512xi32, #tpu.memory_space<vmem>>) semaphore(%arg7 : memref<!tpu.dma_semaphore, #tpu.memory_space<semaphore_mem>>)
    %dma_wait3A_126 = arith.constant 0 : i32
    %dma_wait3A_127 = arith.constant 0 : i32
    %dma_wait3A_128 = tpu.memref_slice %arg2[%dma_wait3A_126, %dma_wait3A_127] : memref<32768x128xf32, #tpu.memory_space<hbm>> -> memref<32768x128xf32, #tpu.memory_space<hbm>>
    tpu.wait_indirect_dma semaphore(%arg7 : memref<!tpu.dma_semaphore, #tpu.memory_space<semaphore_mem>>) src(%dma_wait3A_128 : memref<32768x128xf32, #tpu.memory_space<hbm>>) dst(%arg6 : memref<512x128xf32, #tpu.memory_space<vmem>>)
    "tpu.region"() ({
      %run_scoped3A = tpu.sem_alloc : memref<!tpu.dma_semaphore, #tpu.memory_space<semaphore_mem>>
      %dma_start3A_129 = arith.constant 0 : i32
      %dma_start3A_130 = tpu.memref_slice %arg4[%add3A_122, %dma_start3A_129] : memref<262144x128xf32, #tpu.memory_space<hbm>> -> memref<512x128xf32, #tpu.memory_space<hbm>>
      %dma_start3A_131 = arith.constant 0 : i32
      %dma_start3A_132 = tpu.memref_slice %arg4[%add3A_122, %dma_start3A_131] : memref<262144x128xf32, #tpu.memory_space<hbm>> -> memref<512x128xf32, #tpu.memory_space<hbm>>
      tpu.enqueue_dma source(%arg6 : memref<512x128xf32, #tpu.memory_space<vmem>>) target(%dma_start3A_132 : memref<512x128xf32, #tpu.memory_space<hbm>>) target_semaphore(%run_scoped3A : memref<!tpu.dma_semaphore, #tpu.memory_space<semaphore_mem>>)
      %dma_wait3A_133 = arith.constant 0 : i32
      %dma_wait3A_134 = tpu.memref_slice %arg4[%add3A_122, %dma_wait3A_133] : memref<262144x128xf32, #tpu.memory_space<hbm>> -> memref<512x128xf32, #tpu.memory_space<hbm>>
      %dma_wait3A_135 = arith.constant 0 : i32
      %dma_wait3A_136 = tpu.memref_slice %arg4[%add3A_122, %dma_wait3A_135] : memref<262144x128xf32, #tpu.memory_space<hbm>> -> memref<512x128xf32, #tpu.memory_space<hbm>>
      tpu.wait_dma2 semaphore(%run_scoped3A : memref<!tpu.dma_semaphore, #tpu.memory_space<semaphore_mem>>) src(%arg6 : memref<512x128xf32, #tpu.memory_space<vmem>>) dst(%dma_wait3A_136 : memref<512x128xf32, #tpu.memory_space<hbm>>)
      tpu.yield
    }) : () -> ()
    return
  }
}

module attributes {stable_mosaic.version = 14 : i64} {
  func.func @_fps_kernel(%arg0: memref<4x8192xf32, #tpu.memory_space<vmem>>, %arg1: memref<4x8192xf32, #tpu.memory_space<vmem>>, %arg2: memref<4x8192xf32, #tpu.memory_space<vmem>>, %arg3: memref<4x2048xf32, #tpu.memory_space<vmem>>, %arg4: memref<4x2048xf32, #tpu.memory_space<vmem>>, %arg5: memref<4x2048xf32, #tpu.memory_space<vmem>>) attributes {dimension_semantics = [], scalar_prefetch = 0 : i64, scratch_operands = 0 : i64, tpu.core_type = #tpu.core_type<tc>} {
    %get3A = arith.constant 0 : index
    %get3A_0 = arith.constant 0 : index
    %get3A_1 = vector.load %arg0[%get3A, %get3A_0] : memref<4x8192xf32, #tpu.memory_space<vmem>>, vector<4x8192xf32>
    %get3A_2 = arith.constant 0 : index
    %get3A_3 = arith.constant 0 : index
    %get3A_4 = vector.load %arg1[%get3A_2, %get3A_3] : memref<4x8192xf32, #tpu.memory_space<vmem>>, vector<4x8192xf32>
    %get3A_5 = arith.constant 0 : index
    %get3A_6 = arith.constant 0 : index
    %get3A_7 = vector.load %arg2[%get3A_5, %get3A_6] : memref<4x8192xf32, #tpu.memory_space<vmem>>, vector<4x8192xf32>
    %iota3A = tpu.iota {dimensions = array<i32: 1>} : vector<4x8192xi32>
    %iota3A_8 = tpu.iota {dimensions = array<i32: 1>} : vector<4x2048xi32>
    %slice3A = vector.extract_strided_slice %get3A_1 {offsets = [0, 0], sizes = [4, 1], strides = [1, 1]} : vector<4x8192xf32> to vector<4x1xf32>
    %slice3A_9 = vector.extract_strided_slice %get3A_4 {offsets = [0, 0], sizes = [4, 1], strides = [1, 1]} : vector<4x8192xf32> to vector<4x1xf32>
    %slice3A_10 = vector.extract_strided_slice %get3A_7 {offsets = [0, 0], sizes = [4, 1], strides = [1, 1]} : vector<4x8192xf32> to vector<4x1xf32>
    %broadcast_in_dim3A = arith.constant 0.000000e+00 : f32
    %broadcast_in_dim3A_11 = vector.broadcast %broadcast_in_dim3A : f32 to vector<4x2048xf32>
    %eq3A = arith.constant 0 : i32
    %eq3A_12 = vector.broadcast %eq3A : i32 to vector<4x2048xi32>
    %eq3A_13 = arith.cmpi eq, %iota3A_8, %eq3A_12 : vector<4x2048xi32>
    %broadcast_in_dim3A_14 = vector.shape_cast %slice3A : vector<4x1xf32> to vector<4x1xf32>
    %broadcast_in_dim3A_15 = vector.broadcast %broadcast_in_dim3A_14 : vector<4x1xf32> to vector<4x2048xf32>
    %select_n3A = arith.select %eq3A_13, %broadcast_in_dim3A_15, %broadcast_in_dim3A_11 : vector<4x2048xi1>, vector<4x2048xf32>
    %eq3A_16 = arith.constant 0 : i32
    %eq3A_17 = vector.broadcast %eq3A_16 : i32 to vector<4x2048xi32>
    %eq3A_18 = arith.cmpi eq, %iota3A_8, %eq3A_17 : vector<4x2048xi32>
    %broadcast_in_dim3A_19 = vector.shape_cast %slice3A_9 : vector<4x1xf32> to vector<4x1xf32>
    %broadcast_in_dim3A_20 = vector.broadcast %broadcast_in_dim3A_19 : vector<4x1xf32> to vector<4x2048xf32>
    %select_n3A_21 = arith.select %eq3A_18, %broadcast_in_dim3A_20, %broadcast_in_dim3A_11 : vector<4x2048xi1>, vector<4x2048xf32>
    %eq3A_22 = arith.constant 0 : i32
    %eq3A_23 = vector.broadcast %eq3A_22 : i32 to vector<4x2048xi32>
    %eq3A_24 = arith.cmpi eq, %iota3A_8, %eq3A_23 : vector<4x2048xi32>
    %broadcast_in_dim3A_25 = vector.shape_cast %slice3A_10 : vector<4x1xf32> to vector<4x1xf32>
    %broadcast_in_dim3A_26 = vector.broadcast %broadcast_in_dim3A_25 : vector<4x1xf32> to vector<4x2048xf32>
    %select_n3A_27 = arith.select %eq3A_24, %broadcast_in_dim3A_26, %broadcast_in_dim3A_11 : vector<4x2048xi1>, vector<4x2048xf32>
    %broadcast_in_dim3A_28 = arith.constant 1.000000e+10 : f32
    %broadcast_in_dim3A_29 = vector.broadcast %broadcast_in_dim3A_28 : f32 to vector<4x8192xf32>
    %scan3A = arith.constant 1 : i32
    %scan3A_30 = arith.constant 2047 : i32
    %scan3A_31 = arith.addi %scan3A, %scan3A_30 : i32
    %scan3A_32 = arith.constant 1 : i32
    %scan3A_33:7 = scf.for %scan3A_43 = %scan3A to %scan3A_31 step %scan3A_32 iter_args(%scan3A_44 = %broadcast_in_dim3A_29, %scan3A_45 = %slice3A, %scan3A_46 = %slice3A_9, %scan3A_47 = %slice3A_10, %scan3A_48 = %select_n3A, %scan3A_49 = %select_n3A_21, %scan3A_50 = %select_n3A_27) -> (vector<4x8192xf32>, vector<4x1xf32>, vector<4x1xf32>, vector<4x1xf32>, vector<4x2048xf32>, vector<4x2048xf32>, vector<4x2048xf32>)  : i32 {
      %sub3A = vector.broadcast %scan3A_45 : vector<4x1xf32> to vector<4x8192xf32>
      %sub3A_51 = arith.subf %get3A_1, %sub3A : vector<4x8192xf32>
      %integer_pow3A = arith.mulf %sub3A_51, %sub3A_51 : vector<4x8192xf32>
      %sub3A_52 = vector.broadcast %scan3A_46 : vector<4x1xf32> to vector<4x8192xf32>
      %sub3A_53 = arith.subf %get3A_4, %sub3A_52 : vector<4x8192xf32>
      %integer_pow3A_54 = arith.mulf %sub3A_53, %sub3A_53 : vector<4x8192xf32>
      %add3A = arith.addf %integer_pow3A, %integer_pow3A_54 : vector<4x8192xf32>
      %sub3A_55 = vector.broadcast %scan3A_47 : vector<4x1xf32> to vector<4x8192xf32>
      %sub3A_56 = arith.subf %get3A_7, %sub3A_55 : vector<4x8192xf32>
      %integer_pow3A_57 = arith.mulf %sub3A_56, %sub3A_56 : vector<4x8192xf32>
      %add3A_58 = arith.addf %add3A, %integer_pow3A_57 : vector<4x8192xf32>
      %min3A = arith.minimumf %scan3A_44, %add3A_58 : vector<4x8192xf32>
      %reduce_max3A = arith.constant dense<0xFF800000> : vector<4xf32>
      %reduce_max3A_59 = vector.multi_reduction <maximumf>, %min3A, %reduce_max3A [1] : vector<4x8192xf32> to vector<4xf32>
      %broadcast_in_dim3A_60 = vector.shape_cast %reduce_max3A_59 : vector<4xf32> to vector<4x1xf32>
      %eq3A_61 = vector.broadcast %broadcast_in_dim3A_60 : vector<4x1xf32> to vector<4x8192xf32>
      %eq3A_62 = arith.cmpf oeq, %min3A, %eq3A_61 : vector<4x8192xf32>
      %jit3A = arith.constant 8192 : i32
      %broadcast_in_dim3A_63 = vector.broadcast %jit3A : i32 to vector<4x8192xi32>
      %select_n3A_64 = arith.select %eq3A_62, %iota3A, %broadcast_in_dim3A_63 : vector<4x8192xi1>, vector<4x8192xi32>
      %reduce_min3A = arith.constant dense<2147483647> : vector<4xi32>
      %reduce_min3A_65 = vector.multi_reduction <minsi>, %select_n3A_64, %reduce_min3A [1] : vector<4x8192xi32> to vector<4xi32>
      %broadcast_in_dim3A_66 = vector.shape_cast %reduce_min3A_65 : vector<4xi32> to vector<4x1xi32>
      %eq3A_67 = vector.broadcast %broadcast_in_dim3A_66 : vector<4x1xi32> to vector<4x8192xi32>
      %eq3A_68 = arith.cmpi eq, %iota3A, %eq3A_67 : vector<4x8192xi32>
      %broadcast_in_dim3A_69 = arith.constant 0.000000e+00 : f32
      %broadcast_in_dim3A_70 = vector.broadcast %broadcast_in_dim3A_69 : f32 to vector<4x8192xf32>
      %select_n3A_71 = arith.select %eq3A_68, %get3A_1, %broadcast_in_dim3A_70 : vector<4x8192xi1>, vector<4x8192xf32>
      %reduce_sum3A = arith.constant dense<0.000000e+00> : vector<4xf32>
      %reduce_sum3A_72 = vector.multi_reduction <add>, %select_n3A_71, %reduce_sum3A [1] : vector<4x8192xf32> to vector<4xf32>
      %broadcast_in_dim3A_73 = vector.shape_cast %reduce_sum3A_72 : vector<4xf32> to vector<4x1xf32>
      %select_n3A_74 = arith.select %eq3A_68, %get3A_4, %broadcast_in_dim3A_70 : vector<4x8192xi1>, vector<4x8192xf32>
      %reduce_sum3A_75 = arith.constant dense<0.000000e+00> : vector<4xf32>
      %reduce_sum3A_76 = vector.multi_reduction <add>, %select_n3A_74, %reduce_sum3A_75 [1] : vector<4x8192xf32> to vector<4xf32>
      %broadcast_in_dim3A_77 = vector.shape_cast %reduce_sum3A_76 : vector<4xf32> to vector<4x1xf32>
      %select_n3A_78 = arith.select %eq3A_68, %get3A_7, %broadcast_in_dim3A_70 : vector<4x8192xi1>, vector<4x8192xf32>
      %reduce_sum3A_79 = arith.constant dense<0.000000e+00> : vector<4xf32>
      %reduce_sum3A_80 = vector.multi_reduction <add>, %select_n3A_78, %reduce_sum3A_79 [1] : vector<4x8192xf32> to vector<4xf32>
      %broadcast_in_dim3A_81 = vector.shape_cast %reduce_sum3A_80 : vector<4xf32> to vector<4x1xf32>
      %eq3A_82 = vector.broadcast %scan3A_43 : i32 to vector<4x2048xi32>
      %eq3A_83 = arith.cmpi eq, %iota3A_8, %eq3A_82 : vector<4x2048xi32>
      %broadcast_in_dim3A_84 = vector.shape_cast %broadcast_in_dim3A_73 : vector<4x1xf32> to vector<4x1xf32>
      %broadcast_in_dim3A_85 = vector.broadcast %broadcast_in_dim3A_84 : vector<4x1xf32> to vector<4x2048xf32>
      %select_n3A_86 = arith.select %eq3A_83, %broadcast_in_dim3A_85, %scan3A_48 : vector<4x2048xi1>, vector<4x2048xf32>
      %broadcast_in_dim3A_87 = vector.shape_cast %broadcast_in_dim3A_77 : vector<4x1xf32> to vector<4x1xf32>
      %broadcast_in_dim3A_88 = vector.broadcast %broadcast_in_dim3A_87 : vector<4x1xf32> to vector<4x2048xf32>
      %select_n3A_89 = arith.select %eq3A_83, %broadcast_in_dim3A_88, %scan3A_49 : vector<4x2048xi1>, vector<4x2048xf32>
      %broadcast_in_dim3A_90 = vector.shape_cast %broadcast_in_dim3A_81 : vector<4x1xf32> to vector<4x1xf32>
      %broadcast_in_dim3A_91 = vector.broadcast %broadcast_in_dim3A_90 : vector<4x1xf32> to vector<4x2048xf32>
      %select_n3A_92 = arith.select %eq3A_83, %broadcast_in_dim3A_91, %scan3A_50 : vector<4x2048xi1>, vector<4x2048xf32>
      scf.yield %min3A, %broadcast_in_dim3A_73, %broadcast_in_dim3A_77, %broadcast_in_dim3A_81, %select_n3A_86, %select_n3A_89, %select_n3A_92 : vector<4x8192xf32>, vector<4x1xf32>, vector<4x1xf32>, vector<4x1xf32>, vector<4x2048xf32>, vector<4x2048xf32>, vector<4x2048xf32>
    }
    %scan3A_34 = arith.constant 2047 : i32
    %swap3A = arith.constant 0 : index
    %swap3A_35 = arith.constant 0 : index
    %swap3A_36 = vector.load %arg3[%swap3A, %swap3A_35] : memref<4x2048xf32, #tpu.memory_space<vmem>>, vector<4x2048xf32>
    tpu.vector_store %arg3[%swap3A, %swap3A_35], %scan3A_33#4 {strides = array<i32>} : memref<4x2048xf32, #tpu.memory_space<vmem>>, vector<4x2048xf32>,
    %swap3A_37 = arith.constant 0 : index
    %swap3A_38 = arith.constant 0 : index
    %swap3A_39 = vector.load %arg4[%swap3A_37, %swap3A_38] : memref<4x2048xf32, #tpu.memory_space<vmem>>, vector<4x2048xf32>
    tpu.vector_store %arg4[%swap3A_37, %swap3A_38], %scan3A_33#5 {strides = array<i32>} : memref<4x2048xf32, #tpu.memory_space<vmem>>, vector<4x2048xf32>,
    %swap3A_40 = arith.constant 0 : index
    %swap3A_41 = arith.constant 0 : index
    %swap3A_42 = vector.load %arg5[%swap3A_40, %swap3A_41] : memref<4x2048xf32, #tpu.memory_space<vmem>>, vector<4x2048xf32>
    tpu.vector_store %arg5[%swap3A_40, %swap3A_41], %scan3A_33#6 {strides = array<i32>} : memref<4x2048xf32, #tpu.memory_space<vmem>>, vector<4x2048xf32>,
    return
  }
}

module attributes {stable_mosaic.version = 14 : i64} {
  func.func @_bq_kernel(%arg0: i32, %arg1: i32, %arg2: memref<1x1x8192xf32, #tpu.memory_space<vmem>>, %arg3: memref<1x1x8192xf32, #tpu.memory_space<vmem>>, %arg4: memref<1x1x8192xf32, #tpu.memory_space<vmem>>, %arg5: memref<1x128x1xf32, #tpu.memory_space<vmem>>, %arg6: memref<1x128x1xf32, #tpu.memory_space<vmem>>, %arg7: memref<1x128x1xf32, #tpu.memory_space<vmem>>, %arg8: memref<1x128x32xi32, #tpu.memory_space<vmem>>) attributes {dimension_semantics = [#tpu.dimension_semantics<arbitrary>, #tpu.dimension_semantics<arbitrary>], iteration_bounds = array<i64: 4, 16>, scalar_prefetch = 0 : i64, scratch_operands = 0 : i64, tpu.core_type = #tpu.core_type<tc>, window_params = [{transform_indices = @transform_0, window_bounds = array<i64: 1, 1, 8192>}, {transform_indices = @transform_1, window_bounds = array<i64: 1, 1, 8192>}, {transform_indices = @transform_2, window_bounds = array<i64: 1, 1, 8192>}, {transform_indices = @transform_3, window_bounds = array<i64: 1, 128, 1>}, {transform_indices = @transform_4, window_bounds = array<i64: 1, 128, 1>}, {transform_indices = @transform_5, window_bounds = array<i64: 1, 128, 1>}, {transform_indices = @transform_6, window_bounds = array<i64: 1, 128, 32>}]} {
    %get3A = arith.constant 0 : index
    %get3A_0 = arith.constant 0 : index
    %get3A_1 = arith.constant 0 : index
    %get3A_2 = vector.load %arg2[%get3A, %get3A_0, %get3A_1] : memref<1x1x8192xf32, #tpu.memory_space<vmem>>, vector<1x1x8192xf32>
    %get3A_3 = vector.shape_cast %get3A_2 : vector<1x1x8192xf32> to vector<1x8192xf32>
    %get3A_4 = arith.constant 0 : index
    %get3A_5 = arith.constant 0 : index
    %get3A_6 = arith.constant 0 : index
    %get3A_7 = vector.load %arg3[%get3A_4, %get3A_5, %get3A_6] : memref<1x1x8192xf32, #tpu.memory_space<vmem>>, vector<1x1x8192xf32>
    %get3A_8 = vector.shape_cast %get3A_7 : vector<1x1x8192xf32> to vector<1x8192xf32>
    %get3A_9 = arith.constant 0 : index
    %get3A_10 = arith.constant 0 : index
    %get3A_11 = arith.constant 0 : index
    %get3A_12 = vector.load %arg4[%get3A_9, %get3A_10, %get3A_11] : memref<1x1x8192xf32, #tpu.memory_space<vmem>>, vector<1x1x8192xf32>
    %get3A_13 = vector.shape_cast %get3A_12 : vector<1x1x8192xf32> to vector<1x8192xf32>
    %get3A_14 = arith.constant 0 : index
    %get3A_15 = arith.constant 0 : index
    %get3A_16 = arith.constant 0 : index
    %get3A_17 = vector.load %arg5[%get3A_14, %get3A_15, %get3A_16] : memref<1x128x1xf32, #tpu.memory_space<vmem>>, vector<1x128x1xf32>
    %get3A_18 = vector.shape_cast %get3A_17 : vector<1x128x1xf32> to vector<128x1xf32>
    %get3A_19 = arith.constant 0 : index
    %get3A_20 = arith.constant 0 : index
    %get3A_21 = arith.constant 0 : index
    %get3A_22 = vector.load %arg6[%get3A_19, %get3A_20, %get3A_21] : memref<1x128x1xf32, #tpu.memory_space<vmem>>, vector<1x128x1xf32>
    %get3A_23 = vector.shape_cast %get3A_22 : vector<1x128x1xf32> to vector<128x1xf32>
    %get3A_24 = arith.constant 0 : index
    %get3A_25 = arith.constant 0 : index
    %get3A_26 = arith.constant 0 : index
    %get3A_27 = vector.load %arg7[%get3A_24, %get3A_25, %get3A_26] : memref<1x128x1xf32, #tpu.memory_space<vmem>>, vector<1x128x1xf32>
    %get3A_28 = vector.shape_cast %get3A_27 : vector<1x128x1xf32> to vector<128x1xf32>
    %sub3A = vector.broadcast %get3A_18 : vector<128x1xf32> to vector<128x8192xf32>
    %sub3A_29 = vector.broadcast %get3A_3 : vector<1x8192xf32> to vector<128x8192xf32>
    %sub3A_30 = arith.subf %sub3A, %sub3A_29 : vector<128x8192xf32>
    %integer_pow3A = arith.mulf %sub3A_30, %sub3A_30 : vector<128x8192xf32>
    %sub3A_31 = vector.broadcast %get3A_23 : vector<128x1xf32> to vector<128x8192xf32>
    %sub3A_32 = vector.broadcast %get3A_8 : vector<1x8192xf32> to vector<128x8192xf32>
    %sub3A_33 = arith.subf %sub3A_31, %sub3A_32 : vector<128x8192xf32>
    %integer_pow3A_34 = arith.mulf %sub3A_33, %sub3A_33 : vector<128x8192xf32>
    %add3A = arith.addf %integer_pow3A, %integer_pow3A_34 : vector<128x8192xf32>
    %sub3A_35 = vector.broadcast %get3A_28 : vector<128x1xf32> to vector<128x8192xf32>
    %sub3A_36 = vector.broadcast %get3A_13 : vector<1x8192xf32> to vector<128x8192xf32>
    %sub3A_37 = arith.subf %sub3A_35, %sub3A_36 : vector<128x8192xf32>
    %integer_pow3A_38 = arith.mulf %sub3A_37, %sub3A_37 : vector<128x8192xf32>
    %add3A_39 = arith.addf %add3A, %integer_pow3A_38 : vector<128x8192xf32>
    %iota3A = tpu.iota {dimensions = array<i32: 1>} : vector<128x8192xi32>
    %iota3A_40 = tpu.iota {dimensions = array<i32: 1>} : vector<128x32xi32>
    %broadcast_in_dim3A = arith.constant 0 : i32
    %broadcast_in_dim3A_41 = vector.broadcast %broadcast_in_dim3A : i32 to vector<128x32xi32>
    %broadcast_in_dim3A_42 = arith.constant 0 : i32
    %broadcast_in_dim3A_43 = vector.broadcast %broadcast_in_dim3A_42 : i32 to vector<128x1xi32>
    %scan3A = arith.constant 0 : i32
    %scan3A_44 = arith.constant 32 : i32
    %scan3A_45 = arith.addi %scan3A, %scan3A_44 : i32
    %scan3A_46 = arith.constant 1 : i32
    %scan3A_47:3 = scf.for %scan3A_57 = %scan3A to %scan3A_45 step %scan3A_46 iter_args(%scan3A_58 = %add3A_39, %scan3A_59 = %broadcast_in_dim3A_41, %scan3A_60 = %broadcast_in_dim3A_43) -> (vector<128x8192xf32>, vector<128x32xi32>, vector<128x1xi32>)  : i32 {
      %reduce_min3A = arith.constant dense<0x7F800000> : vector<128xf32>
      %reduce_min3A_61 = vector.multi_reduction <minimumf>, %scan3A_58, %reduce_min3A [1] : vector<128x8192xf32> to vector<128xf32>
      %broadcast_in_dim3A_62 = vector.shape_cast %reduce_min3A_61 : vector<128xf32> to vector<128x1xf32>
      %eq3A = vector.broadcast %broadcast_in_dim3A_62 : vector<128x1xf32> to vector<128x8192xf32>
      %eq3A_63 = arith.cmpf oeq, %scan3A_58, %eq3A : vector<128x8192xf32>
      %jit3A = arith.constant 8192 : i32
      %broadcast_in_dim3A_64 = vector.broadcast %jit3A : i32 to vector<128x8192xi32>
      %select_n3A = arith.select %eq3A_63, %iota3A, %broadcast_in_dim3A_64 : vector<128x8192xi1>, vector<128x8192xi32>
      %reduce_min3A_65 = arith.constant dense<2147483647> : vector<128xi32>
      %reduce_min3A_66 = vector.multi_reduction <minsi>, %select_n3A, %reduce_min3A_65 [1] : vector<128x8192xi32> to vector<128xi32>
      %broadcast_in_dim3A_67 = vector.shape_cast %reduce_min3A_66 : vector<128xi32> to vector<128x1xi32>
      %eq3A_68 = arith.constant 0 : i32
      %eq3A_69 = arith.cmpi eq, %scan3A_57, %eq3A_68 : i32
      %select_n3A_70 = arith.select %eq3A_69, %broadcast_in_dim3A_67, %scan3A_60 : vector<128x1xi32>
      %lt3A = arith.constant 4.000000e-02 : f32
      %lt3A_71 = vector.broadcast %lt3A : f32 to vector<128x1xf32>
      %lt3A_72 = arith.cmpf olt, %broadcast_in_dim3A_62, %lt3A_71 : vector<128x1xf32>
      %select_n3A_73 = arith.select %lt3A_72, %broadcast_in_dim3A_67, %select_n3A_70 : vector<128x1xi1>, vector<128x1xi32>
      %eq3A_74 = vector.broadcast %scan3A_57 : i32 to vector<128x32xi32>
      %eq3A_75 = arith.cmpi eq, %iota3A_40, %eq3A_74 : vector<128x32xi32>
      %broadcast_in_dim3A_76 = vector.shape_cast %select_n3A_73 : vector<128x1xi32> to vector<128x1xi32>
      %broadcast_in_dim3A_77 = vector.broadcast %broadcast_in_dim3A_76 : vector<128x1xi32> to vector<128x32xi32>
      %select_n3A_78 = arith.select %eq3A_75, %broadcast_in_dim3A_77, %scan3A_59 : vector<128x32xi1>, vector<128x32xi32>
      %eq3A_79 = vector.broadcast %broadcast_in_dim3A_67 : vector<128x1xi32> to vector<128x8192xi32>
      %eq3A_80 = arith.cmpi eq, %iota3A, %eq3A_79 : vector<128x8192xi32>
      %jit3A_81 = arith.constant 1.000000e+10 : f32
      %broadcast_in_dim3A_82 = vector.broadcast %jit3A_81 : f32 to vector<128x8192xf32>
      %select_n3A_83 = arith.select %eq3A_80, %broadcast_in_dim3A_82, %scan3A_58 : vector<128x8192xi1>, vector<128x8192xf32>
      scf.yield %select_n3A_83, %select_n3A_78, %select_n3A_70 : vector<128x8192xf32>, vector<128x32xi32>, vector<128x1xi32>
    }
    %scan3A_48 = arith.constant 32 : i32
    %mul3A = arith.constant 8192 : i32
    %mul3A_49 = arith.muli %arg0, %mul3A : i32
    %add3A_50 = vector.broadcast %mul3A_49 : i32 to vector<128x32xi32>
    %add3A_51 = arith.addi %scan3A_47#1, %add3A_50 : vector<128x32xi32>
    %swap3A = arith.constant 0 : index
    %swap3A_52 = arith.constant 0 : index
    %swap3A_53 = arith.constant 0 : index
    %swap3A_54 = vector.load %arg8[%swap3A, %swap3A_52, %swap3A_53] : memref<1x128x32xi32, #tpu.memory_space<vmem>>, vector<1x128x32xi32>
    %swap3A_55 = vector.shape_cast %swap3A_54 : vector<1x128x32xi32> to vector<128x32xi32>
    %swap3A_56 = vector.shape_cast %add3A_51 : vector<128x32xi32> to vector<1x128x32xi32>
    tpu.vector_store %arg8[%swap3A, %swap3A_52, %swap3A_53], %swap3A_56 {strides = array<i32>} : memref<1x128x32xi32, #tpu.memory_space<vmem>>, vector<1x128x32xi32>,
    return
  }
  func.func @transform_0(%arg0: i32, %arg1: i32) -> (i32, i32, i32) {
    %c0_i32 = arith.constant 0 : i32
    %c0_i32_0 = arith.constant 0 : i32
    %c0_i32_1 = arith.constant 0 : i32
    return %arg0, %c0_i32, %c0_i32_0 : i32, i32, i32
  }
  func.func @transform_1(%arg0: i32, %arg1: i32) -> (i32, i32, i32) {
    %c0_i32 = arith.constant 0 : i32
    %c0_i32_0 = arith.constant 0 : i32
    %c0_i32_1 = arith.constant 0 : i32
    return %arg0, %c0_i32, %c0_i32_0 : i32, i32, i32
  }
  func.func @transform_2(%arg0: i32, %arg1: i32) -> (i32, i32, i32) {
    %c0_i32 = arith.constant 0 : i32
    %c0_i32_0 = arith.constant 0 : i32
    %c0_i32_1 = arith.constant 0 : i32
    return %arg0, %c0_i32, %c0_i32_0 : i32, i32, i32
  }
  func.func @transform_3(%arg0: i32, %arg1: i32) -> (i32, i32, i32) {
    %c0_i32 = arith.constant 0 : i32
    %c0_i32_0 = arith.constant 0 : i32
    return %arg0, %arg1, %c0_i32 : i32, i32, i32
  }
  func.func @transform_4(%arg0: i32, %arg1: i32) -> (i32, i32, i32) {
    %c0_i32 = arith.constant 0 : i32
    %c0_i32_0 = arith.constant 0 : i32
    return %arg0, %arg1, %c0_i32 : i32, i32, i32
  }
  func.func @transform_5(%arg0: i32, %arg1: i32) -> (i32, i32, i32) {
    %c0_i32 = arith.constant 0 : i32
    %c0_i32_0 = arith.constant 0 : i32
    return %arg0, %arg1, %c0_i32 : i32, i32, i32
  }
  func.func @transform_6(%arg0: i32, %arg1: i32) -> (i32, i32, i32) {
    %c0_i32 = arith.constant 0 : i32
    %c0_i32_0 = arith.constant 0 : i32
    return %arg0, %arg1, %c0_i32 : i32, i32, i32
  }
}

module attributes {stable_mosaic.version = 14 : i64} {
  func.func @_table_kernel(%arg0: i32, %arg1: memref<2048x64xf32, #tpu.memory_space<vmem>>, %arg2: memref<2048x3xf32, #tpu.memory_space<vmem>>, %arg3: memref<64x64xf32, #tpu.memory_space<vmem>>, %arg4: memref<3x64xf32, #tpu.memory_space<vmem>>, %arg5: memref<1x64xf32, #tpu.memory_space<vmem>>, %arg6: memref<2048x128xf32, #tpu.memory_space<vmem>>) attributes {dimension_semantics = [#tpu.dimension_semantics<arbitrary>], iteration_bounds = array<i64: 16>, scalar_prefetch = 0 : i64, scratch_operands = 0 : i64, tpu.core_type = #tpu.core_type<tc>, window_params = [{transform_indices = @transform_0, window_bounds = array<i64: 2048, 64>}, {transform_indices = @transform_1, window_bounds = array<i64: 2048, 3>}, {pipeline_mode = #tpu.pipeline_mode<synchronous>, transform_indices = @transform_2, window_bounds = array<i64: 64, 64>}, {pipeline_mode = #tpu.pipeline_mode<synchronous>, transform_indices = @transform_3, window_bounds = array<i64: 3, 64>}, {pipeline_mode = #tpu.pipeline_mode<synchronous>, transform_indices = @transform_4, window_bounds = array<i64: 1, 64>}, {transform_indices = @transform_5, window_bounds = array<i64: 2048, 128>}]} {
    %get3A = arith.constant 0 : index
    %get3A_0 = arith.constant 0 : index
    %get3A_1 = vector.load %arg1[%get3A, %get3A_0] : memref<2048x64xf32, #tpu.memory_space<vmem>>, vector<2048x64xf32>
    %get3A_2 = arith.constant 0 : index
    %get3A_3 = arith.constant 0 : index
    %get3A_4 = vector.load %arg3[%get3A_2, %get3A_3] : memref<64x64xf32, #tpu.memory_space<vmem>>, vector<64x64xf32>
    %dot_general3A = arith.constant dense<0.000000e+00> : vector<2048x64xf32>
    %dot_general3A_5 = tpu.matmul %get3A_1, %get3A_4, %dot_general3A {dimension_numbers = #tpu.dot_dimension_numbers<[1], [0], [0], [1], [0, 0, 1, 1], [], []>, transpose_lhs_hint = false} : vector<2048x64xf32>, vector<64x64xf32>, vector<2048x64xf32> -> vector<2048x64xf32>
    %get3A_6 = arith.constant 0 : index
    %get3A_7 = arith.constant 0 : index
    %get3A_8 = vector.load %arg2[%get3A_6, %get3A_7] : memref<2048x3xf32, #tpu.memory_space<vmem>>, vector<2048x3xf32>
    %get3A_9 = arith.constant 0 : index
    %get3A_10 = arith.constant 0 : index
    %get3A_11 = vector.load %arg4[%get3A_9, %get3A_10] : memref<3x64xf32, #tpu.memory_space<vmem>>, vector<3x64xf32>
    %dot_general3A_12 = arith.constant dense<0.000000e+00> : vector<2048x64xf32>
    %dot_general3A_13 = tpu.matmul %get3A_8, %get3A_11, %dot_general3A_12 {dimension_numbers = #tpu.dot_dimension_numbers<[1], [0], [0], [1], [0, 0, 1, 1], [], []>, transpose_lhs_hint = false} : vector<2048x3xf32>, vector<3x64xf32>, vector<2048x64xf32> -> vector<2048x64xf32>
    %add3A = arith.addf %dot_general3A_5, %dot_general3A_13 : vector<2048x64xf32>
    %get3A_14 = arith.constant 0 : index
    %get3A_15 = arith.constant 0 : index
    %get3A_16 = vector.load %arg5[%get3A_14, %get3A_15] : memref<1x64xf32, #tpu.memory_space<vmem>>, vector<1x64xf32>
    %add3A_17 = vector.broadcast %get3A_16 : vector<1x64xf32> to vector<2048x64xf32>
    %add3A_18 = arith.addf %add3A, %add3A_17 : vector<2048x64xf32>
    %broadcast_in_dim3A = arith.constant 0.000000e+00 : f32
    %broadcast_in_dim3A_19 = vector.broadcast %broadcast_in_dim3A : f32 to vector<2048x64xf32>
    %concatenate3A = tpu.concatenate %add3A_18, %broadcast_in_dim3A_19 in 1 : vector<2048x64xf32>, vector<2048x64xf32> -> vector<2048x128xf32>
    %swap3A = arith.constant 0 : index
    %swap3A_20 = arith.constant 0 : index
    %swap3A_21 = vector.load %arg6[%swap3A, %swap3A_20] : memref<2048x128xf32, #tpu.memory_space<vmem>>, vector<2048x128xf32>
    tpu.vector_store %arg6[%swap3A, %swap3A_20], %concatenate3A {strides = array<i32>} : memref<2048x128xf32, #tpu.memory_space<vmem>>, vector<2048x128xf32>,
    return
  }
  func.func @transform_0(%arg0: i32) -> (i32, i32) {
    %c0_i32 = arith.constant 0 : i32
    %c0_i32_0 = arith.constant 0 : i32
    return %arg0, %c0_i32 : i32, i32
  }
  func.func @transform_1(%arg0: i32) -> (i32, i32) {
    %c0_i32 = arith.constant 0 : i32
    %c0_i32_0 = arith.constant 0 : i32
    return %arg0, %c0_i32 : i32, i32
  }
  func.func @transform_2(%arg0: i32) -> (i32, i32) {
    %c0_i32 = arith.constant 0 : i32
    %c0_i32_0 = arith.constant 0 : i32
    %c0_i32_1 = arith.constant 0 : i32
    return %c0_i32, %c0_i32_0 : i32, i32
  }
  func.func @transform_3(%arg0: i32) -> (i32, i32) {
    %c0_i32 = arith.constant 0 : i32
    %c0_i32_0 = arith.constant 0 : i32
    %c0_i32_1 = arith.constant 0 : i32
    return %c0_i32, %c0_i32_0 : i32, i32
  }
  func.func @transform_4(%arg0: i32) -> (i32, i32) {
    %c0_i32 = arith.constant 0 : i32
    %c0_i32_0 = arith.constant 0 : i32
    %c0_i32_1 = arith.constant 0 : i32
    return %c0_i32, %c0_i32_0 : i32, i32
  }
  func.func @transform_5(%arg0: i32) -> (i32, i32) {
    %c0_i32 = arith.constant 0 : i32
    %c0_i32_0 = arith.constant 0 : i32
    return %arg0, %c0_i32 : i32, i32
  }
}

module attributes {stable_mosaic.version = 14 : i64} {
  func.func @_conv_top3_kernel(%arg0: i32, %arg1: i32, %arg2: memref<1x256x32x128xf32, #tpu.memory_space<vmem>>, %arg3: memref<1x256x1xf32, #tpu.memory_space<vmem>>, %arg4: memref<1x256x1xf32, #tpu.memory_space<vmem>>, %arg5: memref<1x256x1xf32, #tpu.memory_space<vmem>>, %arg6: memref<3x64xf32, #tpu.memory_space<vmem>>, %arg7: memref<1x256x3x64xf32, #tpu.memory_space<vmem>>, %arg8: memref<1x64xf32, #tpu.memory_space<vmem>>, %arg9: memref<1x64xf32, #tpu.memory_space<vmem>>) attributes {dimension_semantics = [#tpu.dimension_semantics<arbitrary>, #tpu.dimension_semantics<arbitrary>], iteration_bounds = array<i64: 4, 8>, scalar_prefetch = 0 : i64, scratch_operands = 0 : i64, tpu.core_type = #tpu.core_type<tc>, window_params = [{transform_indices = @transform_0, window_bounds = array<i64: 1, 256, 32, 128>}, {transform_indices = @transform_1, window_bounds = array<i64: 1, 256, 1>}, {transform_indices = @transform_2, window_bounds = array<i64: 1, 256, 1>}, {transform_indices = @transform_3, window_bounds = array<i64: 1, 256, 1>}, {pipeline_mode = #tpu.pipeline_mode<synchronous>, transform_indices = @transform_4, window_bounds = array<i64: 3, 64>}, {transform_indices = @transform_5, window_bounds = array<i64: 1, 256, 3, 64>}, {pipeline_mode = #tpu.pipeline_mode<synchronous>, transform_indices = @transform_6, window_bounds = array<i64: 1, 64>}, {pipeline_mode = #tpu.pipeline_mode<synchronous>, transform_indices = @transform_7, window_bounds = array<i64: 1, 64>}]} {
    %eq3A = arith.constant 0 : i32
    %eq3A_0 = arith.cmpi eq, %arg0, %eq3A : i32
    %eq3A_1 = arith.constant 0 : i32
    %eq3A_2 = arith.cmpi eq, %arg1, %eq3A_1 : i32
    %and3A = arith.andi %eq3A_0, %eq3A_2 : i1
    %convert_element_type3A = arith.extui %and3A : i1 to i32
    %cond3A = arith.constant 0 : i32
    %cond3A_3 = arith.cmpi ne, %convert_element_type3A, %cond3A : i32
    scf.if %cond3A_3 {
      %broadcast_in_dim3A_99 = arith.constant 0.000000e+00 : f32
      %broadcast_in_dim3A_100 = vector.broadcast %broadcast_in_dim3A_99 : f32 to vector<1x64xf32>
      %swap3A_101 = arith.constant 0 : index
      %swap3A_102 = arith.constant 0 : index
      %swap3A_103 = vector.load %arg8[%swap3A_101, %swap3A_102] : memref<1x64xf32, #tpu.memory_space<vmem>>, vector<1x64xf32>
      tpu.vector_store %arg8[%swap3A_101, %swap3A_102], %broadcast_in_dim3A_100 {strides = array<i32>} : memref<1x64xf32, #tpu.memory_space<vmem>>, vector<1x64xf32>,
      %broadcast_in_dim3A_104 = arith.constant 0.000000e+00 : f32
      %broadcast_in_dim3A_105 = vector.broadcast %broadcast_in_dim3A_104 : f32 to vector<1x64xf32>
      %swap3A_106 = arith.constant 0 : index
      %swap3A_107 = arith.constant 0 : index
      %swap3A_108 = vector.load %arg9[%swap3A_106, %swap3A_107] : memref<1x64xf32, #tpu.memory_space<vmem>>, vector<1x64xf32>
      tpu.vector_store %arg9[%swap3A_106, %swap3A_107], %broadcast_in_dim3A_105 {strides = array<i32>} : memref<1x64xf32, #tpu.memory_space<vmem>>, vector<1x64xf32>,
    } else {
    }
    %get3A = arith.constant 0 : index
    %get3A_4 = arith.constant 0 : index
    %get3A_5 = arith.constant 0 : index
    %get3A_6 = vector.load %arg3[%get3A, %get3A_4, %get3A_5] : memref<1x256x1xf32, #tpu.memory_space<vmem>>, vector<1x256x1xf32>
    %get3A_7 = vector.shape_cast %get3A_6 : vector<1x256x1xf32> to vector<256x1xf32>
    %get3A_8 = arith.constant 0 : index
    %get3A_9 = arith.constant 0 : index
    %get3A_10 = arith.constant 0 : index
    %get3A_11 = vector.load %arg4[%get3A_8, %get3A_9, %get3A_10] : memref<1x256x1xf32, #tpu.memory_space<vmem>>, vector<1x256x1xf32>
    %get3A_12 = vector.shape_cast %get3A_11 : vector<1x256x1xf32> to vector<256x1xf32>
    %get3A_13 = arith.constant 0 : index
    %get3A_14 = arith.constant 0 : index
    %get3A_15 = arith.constant 0 : index
    %get3A_16 = vector.load %arg5[%get3A_13, %get3A_14, %get3A_15] : memref<1x256x1xf32, #tpu.memory_space<vmem>>, vector<1x256x1xf32>
    %get3A_17 = vector.shape_cast %get3A_16 : vector<1x256x1xf32> to vector<256x1xf32>
    %concatenate3A = tpu.concatenate %get3A_7, %get3A_12, %get3A_17 in 1 : vector<256x1xf32>, vector<256x1xf32>, vector<256x1xf32> -> vector<256x3xf32>
    %get3A_18 = arith.constant 0 : index
    %get3A_19 = arith.constant 0 : index
    %get3A_20 = vector.load %arg6[%get3A_18, %get3A_19] : memref<3x64xf32, #tpu.memory_space<vmem>>, vector<3x64xf32>
    %dot_general3A = arith.constant dense<0.000000e+00> : vector<256x64xf32>
    %dot_general3A_21 = tpu.matmul %concatenate3A, %get3A_20, %dot_general3A {dimension_numbers = #tpu.dot_dimension_numbers<[1], [0], [0], [1], [0, 0, 1, 1], [], []>, transpose_lhs_hint = false} : vector<256x3xf32>, vector<3x64xf32>, vector<256x64xf32> -> vector<256x64xf32>
    %get3A_22 = arith.constant 0 : index
    %get3A_23 = arith.constant 0 : index
    %get3A_24 = arith.constant 0 : index
    %get3A_25 = arith.constant 0 : index
    %get3A_26 = vector.load %arg2[%get3A_22, %get3A_23, %get3A_24, %get3A_25] : memref<1x256x32x128xf32, #tpu.memory_space<vmem>>, vector<1x256x32x128xf32>
    %get3A_27 = vector.shape_cast %get3A_26 : vector<1x256x32x128xf32> to vector<256x32x128xf32>
    %slice3A = vector.extract_strided_slice %get3A_27 {offsets = [0, 0, 0], sizes = [256, 32, 64], strides = [1, 1, 1]} : vector<256x32x128xf32> to vector<256x32x64xf32>
    %broadcast_in_dim3A = vector.shape_cast %dot_general3A_21 : vector<256x64xf32> to vector<256x1x64xf32>
    %sub3A = vector.broadcast %broadcast_in_dim3A : vector<256x1x64xf32> to vector<256x32x64xf32>
    %sub3A_28 = arith.subf %slice3A, %sub3A : vector<256x32x64xf32>
    %get3A_29 = arith.constant 0 : index
    %get3A_30 = arith.constant 0 : index
    %get3A_31 = vector.load %arg8[%get3A_29, %get3A_30] : memref<1x64xf32, #tpu.memory_space<vmem>>, vector<1x64xf32>
    %reduce_sum3A = arith.constant dense<0.000000e+00> : vector<64xf32>
    %reduce_sum3A_32 = vector.multi_reduction <add>, %sub3A_28, %reduce_sum3A [0, 1] : vector<256x32x64xf32> to vector<64xf32>
    %reshape3A = vector.shape_cast %reduce_sum3A_32 : vector<64xf32> to vector<1x64xf32>
    %add3A = arith.addf %get3A_31, %reshape3A : vector<1x64xf32>
    %swap3A = arith.constant 0 : index
    %swap3A_33 = arith.constant 0 : index
    %swap3A_34 = vector.load %arg8[%swap3A, %swap3A_33] : memref<1x64xf32, #tpu.memory_space<vmem>>, vector<1x64xf32>
    tpu.vector_store %arg8[%swap3A, %swap3A_33], %add3A {strides = array<i32>} : memref<1x64xf32, #tpu.memory_space<vmem>>, vector<1x64xf32>,
    %get3A_35 = arith.constant 0 : index
    %get3A_36 = arith.constant 0 : index
    %get3A_37 = vector.load %arg9[%get3A_35, %get3A_36] : memref<1x64xf32, #tpu.memory_space<vmem>>, vector<1x64xf32>
    %mul3A = arith.mulf %sub3A_28, %sub3A_28 : vector<256x32x64xf32>
    %reduce_sum3A_38 = arith.constant dense<0.000000e+00> : vector<64xf32>
    %reduce_sum3A_39 = vector.multi_reduction <add>, %mul3A, %reduce_sum3A_38 [0, 1] : vector<256x32x64xf32> to vector<64xf32>
    %reshape3A_40 = vector.shape_cast %reduce_sum3A_39 : vector<64xf32> to vector<1x64xf32>
    %add3A_41 = arith.addf %get3A_37, %reshape3A_40 : vector<1x64xf32>
    %swap3A_42 = arith.constant 0 : index
    %swap3A_43 = arith.constant 0 : index
    %swap3A_44 = vector.load %arg9[%swap3A_42, %swap3A_43] : memref<1x64xf32, #tpu.memory_space<vmem>>, vector<1x64xf32>
    tpu.vector_store %arg9[%swap3A_42, %swap3A_43], %add3A_41 {strides = array<i32>} : memref<1x64xf32, #tpu.memory_space<vmem>>, vector<1x64xf32>,
    %iota3A = tpu.iota {dimensions = array<i32: 1>} : vector<256x32x64xi32>
    %reduce_max3A = arith.constant dense<0xFF800000> : vector<256x64xf32>
    %reduce_max3A_45 = vector.multi_reduction <maximumf>, %sub3A_28, %reduce_max3A [1] : vector<256x32x64xf32> to vector<256x64xf32>
    %broadcast_in_dim3A_46 = vector.shape_cast %reduce_max3A_45 : vector<256x64xf32> to vector<256x1x64xf32>
    %squeeze3A = vector.shape_cast %broadcast_in_dim3A_46 : vector<256x1x64xf32> to vector<256x64xf32>
    %swap3A_47 = arith.constant 0 : index
    %swap3A_48 = arith.constant 0 : index
    %swap3A_49 = arith.constant 0 : index
    %swap3A_50 = arith.constant 0 : index
    %swap3A_51 = vector.load %arg7[%swap3A_47, %swap3A_48, %swap3A_49, %swap3A_50] : memref<1x256x3x64xf32, #tpu.memory_space<vmem>>, vector<1x256x1x64xf32>
    %swap3A_52 = vector.shape_cast %swap3A_51 : vector<1x256x1x64xf32> to vector<256x64xf32>
    %swap3A_53 = vector.shape_cast %squeeze3A : vector<256x64xf32> to vector<1x256x1x64xf32>
    tpu.vector_store %arg7[%swap3A_47, %swap3A_48, %swap3A_49, %swap3A_50], %swap3A_53 {strides = array<i32>} : memref<1x256x3x64xf32, #tpu.memory_space<vmem>>, vector<1x256x1x64xf32>,
    %eq3A_54 = vector.broadcast %broadcast_in_dim3A_46 : vector<256x1x64xf32> to vector<256x32x64xf32>
    %eq3A_55 = arith.cmpf oeq, %sub3A_28, %eq3A_54 : vector<256x32x64xf32>
    %jit3A = arith.constant 32 : i32
    %broadcast_in_dim3A_56 = vector.broadcast %jit3A : i32 to vector<256x32x64xi32>
    %select_n3A = arith.select %eq3A_55, %iota3A, %broadcast_in_dim3A_56 : vector<256x32x64xi1>, vector<256x32x64xi32>
    %reduce_min3A = arith.constant dense<2147483647> : vector<256x64xi32>
    %reduce_min3A_57 = vector.multi_reduction <minsi>, %select_n3A, %reduce_min3A [1] : vector<256x32x64xi32> to vector<256x64xi32>
    %broadcast_in_dim3A_58 = vector.shape_cast %reduce_min3A_57 : vector<256x64xi32> to vector<256x1x64xi32>
    %eq3A_59 = vector.broadcast %broadcast_in_dim3A_58 : vector<256x1x64xi32> to vector<256x32x64xi32>
    %eq3A_60 = arith.cmpi eq, %iota3A, %eq3A_59 : vector<256x32x64xi32>
    %jit3A_61 = arith.constant -3.000000e+38 : f32
    %broadcast_in_dim3A_62 = vector.broadcast %jit3A_61 : f32 to vector<256x32x64xf32>
    %select_n3A_63 = arith.select %eq3A_60, %broadcast_in_dim3A_62, %sub3A_28 : vector<256x32x64xi1>, vector<256x32x64xf32>
    %reduce_max3A_64 = arith.constant dense<0xFF800000> : vector<256x64xf32>
    %reduce_max3A_65 = vector.multi_reduction <maximumf>, %select_n3A_63, %reduce_max3A_64 [1] : vector<256x32x64xf32> to vector<256x64xf32>
    %broadcast_in_dim3A_66 = vector.shape_cast %reduce_max3A_65 : vector<256x64xf32> to vector<256x1x64xf32>
    %squeeze3A_67 = vector.shape_cast %broadcast_in_dim3A_66 : vector<256x1x64xf32> to vector<256x64xf32>
    %swap3A_68 = arith.constant 0 : index
    %swap3A_69 = arith.constant 0 : index
    %swap3A_70 = arith.constant 1 : index
    %swap3A_71 = arith.constant 0 : index
    %swap3A_72 = vector.load %arg7[%swap3A_68, %swap3A_69, %swap3A_70, %swap3A_71] : memref<1x256x3x64xf32, #tpu.memory_space<vmem>>, vector<1x256x1x64xf32>
    %swap3A_73 = vector.shape_cast %swap3A_72 : vector<1x256x1x64xf32> to vector<256x64xf32>
    %swap3A_74 = vector.shape_cast %squeeze3A_67 : vector<256x64xf32> to vector<1x256x1x64xf32>
    tpu.vector_store %arg7[%swap3A_68, %swap3A_69, %swap3A_70, %swap3A_71], %swap3A_74 {strides = array<i32>} : memref<1x256x3x64xf32, #tpu.memory_space<vmem>>, vector<1x256x1x64xf32>,
    %eq3A_75 = vector.broadcast %broadcast_in_dim3A_66 : vector<256x1x64xf32> to vector<256x32x64xf32>
    %eq3A_76 = arith.cmpf oeq, %select_n3A_63, %eq3A_75 : vector<256x32x64xf32>
    %jit3A_77 = arith.constant 32 : i32
    %broadcast_in_dim3A_78 = vector.broadcast %jit3A_77 : i32 to vector<256x32x64xi32>
    %select_n3A_79 = arith.select %eq3A_76, %iota3A, %broadcast_in_dim3A_78 : vector<256x32x64xi1>, vector<256x32x64xi32>
    %reduce_min3A_80 = arith.constant dense<2147483647> : vector<256x64xi32>
    %reduce_min3A_81 = vector.multi_reduction <minsi>, %select_n3A_79, %reduce_min3A_80 [1] : vector<256x32x64xi32> to vector<256x64xi32>
    %broadcast_in_dim3A_82 = vector.shape_cast %reduce_min3A_81 : vector<256x64xi32> to vector<256x1x64xi32>
    %eq3A_83 = vector.broadcast %broadcast_in_dim3A_82 : vector<256x1x64xi32> to vector<256x32x64xi32>
    %eq3A_84 = arith.cmpi eq, %iota3A, %eq3A_83 : vector<256x32x64xi32>
    %jit3A_85 = arith.constant -3.000000e+38 : f32
    %broadcast_in_dim3A_86 = vector.broadcast %jit3A_85 : f32 to vector<256x32x64xf32>
    %select_n3A_87 = arith.select %eq3A_84, %broadcast_in_dim3A_86, %select_n3A_63 : vector<256x32x64xi1>, vector<256x32x64xf32>
    %reduce_max3A_88 = arith.constant dense<0xFF800000> : vector<256x64xf32>
    %reduce_max3A_89 = vector.multi_reduction <maximumf>, %select_n3A_87, %reduce_max3A_88 [1] : vector<256x32x64xf32> to vector<256x64xf32>
    %broadcast_in_dim3A_90 = vector.shape_cast %reduce_max3A_89 : vector<256x64xf32> to vector<256x1x64xf32>
    %squeeze3A_91 = vector.shape_cast %broadcast_in_dim3A_90 : vector<256x1x64xf32> to vector<256x64xf32>
    %swap3A_92 = arith.constant 0 : index
    %swap3A_93 = arith.constant 0 : index
    %swap3A_94 = arith.constant 2 : index
    %swap3A_95 = arith.constant 0 : index
    %swap3A_96 = vector.load %arg7[%swap3A_92, %swap3A_93, %swap3A_94, %swap3A_95] : memref<1x256x3x64xf32, #tpu.memory_space<vmem>>, vector<1x256x1x64xf32>
    %swap3A_97 = vector.shape_cast %swap3A_96 : vector<1x256x1x64xf32> to vector<256x64xf32>
    %swap3A_98 = vector.shape_cast %squeeze3A_91 : vector<256x64xf32> to vector<1x256x1x64xf32>
    tpu.vector_store %arg7[%swap3A_92, %swap3A_93, %swap3A_94, %swap3A_95], %swap3A_98 {strides = array<i32>} : memref<1x256x3x64xf32, #tpu.memory_space<vmem>>, vector<1x256x1x64xf32>,
    return
  }
  func.func @transform_0(%arg0: i32, %arg1: i32) -> (i32, i32, i32, i32) {
    %c0_i32 = arith.constant 0 : i32
    %c0_i32_0 = arith.constant 0 : i32
    %c0_i32_1 = arith.constant 0 : i32
    return %arg0, %arg1, %c0_i32, %c0_i32_0 : i32, i32, i32, i32
  }
  func.func @transform_1(%arg0: i32, %arg1: i32) -> (i32, i32, i32) {
    %c0_i32 = arith.constant 0 : i32
    %c0_i32_0 = arith.constant 0 : i32
    return %arg0, %arg1, %c0_i32 : i32, i32, i32
  }
  func.func @transform_2(%arg0: i32, %arg1: i32) -> (i32, i32, i32) {
    %c0_i32 = arith.constant 0 : i32
    %c0_i32_0 = arith.constant 0 : i32
    return %arg0, %arg1, %c0_i32 : i32, i32, i32
  }
  func.func @transform_3(%arg0: i32, %arg1: i32) -> (i32, i32, i32) {
    %c0_i32 = arith.constant 0 : i32
    %c0_i32_0 = arith.constant 0 : i32
    return %arg0, %arg1, %c0_i32 : i32, i32, i32
  }
  func.func @transform_4(%arg0: i32, %arg1: i32) -> (i32, i32) {
    %c0_i32 = arith.constant 0 : i32
    %c0_i32_0 = arith.constant 0 : i32
    %c0_i32_1 = arith.constant 0 : i32
    return %c0_i32, %c0_i32_0 : i32, i32
  }
  func.func @transform_5(%arg0: i32, %arg1: i32) -> (i32, i32, i32, i32) {
    %c0_i32 = arith.constant 0 : i32
    %c0_i32_0 = arith.constant 0 : i32
    %c0_i32_1 = arith.constant 0 : i32
    return %arg0, %arg1, %c0_i32, %c0_i32_0 : i32, i32, i32, i32
  }
  func.func @transform_6(%arg0: i32, %arg1: i32) -> (i32, i32) {
    %c0_i32 = arith.constant 0 : i32
    %c0_i32_0 = arith.constant 0 : i32
    %c0_i32_1 = arith.constant 0 : i32
    return %c0_i32, %c0_i32_0 : i32, i32
  }
  func.func @transform_7(%arg0: i32, %arg1: i32) -> (i32, i32) {
    %c0_i32 = arith.constant 0 : i32
    %c0_i32_0 = arith.constant 0 : i32
    %c0_i32_1 = arith.constant 0 : i32
    return %c0_i32, %c0_i32_0 : i32, i32
  }
}

module attributes {stable_mosaic.version = 14 : i64} {
  func.func @_bn_pool_kernel(%arg0: i32, %arg1: i32, %arg2: memref<1x512x3x64xf32, #tpu.memory_space<vmem>>, %arg3: memref<1x64xf32, #tpu.memory_space<vmem>>, %arg4: memref<1x64xf32, #tpu.memory_space<vmem>>, %arg5: memref<1x64xf32, #tpu.memory_space<vmem>>, %arg6: memref<1x64xf32, #tpu.memory_space<vmem>>, %arg7: memref<1x512x64xf32, #tpu.memory_space<vmem>>) attributes {dimension_semantics = [#tpu.dimension_semantics<arbitrary>, #tpu.dimension_semantics<arbitrary>], iteration_bounds = array<i64: 4, 4>, scalar_prefetch = 0 : i64, scratch_operands = 0 : i64, tpu.core_type = #tpu.core_type<tc>, window_params = [{transform_indices = @transform_0, window_bounds = array<i64: 1, 512, 3, 64>}, {pipeline_mode = #tpu.pipeline_mode<synchronous>, transform_indices = @transform_1, window_bounds = array<i64: 1, 64>}, {pipeline_mode = #tpu.pipeline_mode<synchronous>, transform_indices = @transform_2, window_bounds = array<i64: 1, 64>}, {pipeline_mode = #tpu.pipeline_mode<synchronous>, transform_indices = @transform_3, window_bounds = array<i64: 1, 64>}, {pipeline_mode = #tpu.pipeline_mode<synchronous>, transform_indices = @transform_4, window_bounds = array<i64: 1, 64>}, {transform_indices = @transform_5, window_bounds = array<i64: 1, 512, 64>}]} {
    %get3A = arith.constant 0 : index
    %get3A_0 = arith.constant 0 : index
    %get3A_1 = vector.load %arg3[%get3A, %get3A_0] : memref<1x64xf32, #tpu.memory_space<vmem>>, vector<1x64xf32>
    %mul3A = arith.constant 3.81469727E-6 : f32
    %mul3A_2 = vector.broadcast %mul3A : f32 to vector<1x64xf32>
    %mul3A_3 = arith.mulf %get3A_1, %mul3A_2 : vector<1x64xf32>
    %get3A_4 = arith.constant 0 : index
    %get3A_5 = arith.constant 0 : index
    %get3A_6 = vector.load %arg4[%get3A_4, %get3A_5] : memref<1x64xf32, #tpu.memory_space<vmem>>, vector<1x64xf32>
    %mul3A_7 = arith.constant 3.81469727E-6 : f32
    %mul3A_8 = vector.broadcast %mul3A_7 : f32 to vector<1x64xf32>
    %mul3A_9 = arith.mulf %get3A_6, %mul3A_8 : vector<1x64xf32>
    %mul3A_10 = arith.mulf %mul3A_3, %mul3A_3 : vector<1x64xf32>
    %sub3A = arith.subf %mul3A_9, %mul3A_10 : vector<1x64xf32>
    %get3A_11 = arith.constant 0 : index
    %get3A_12 = arith.constant 0 : index
    %get3A_13 = vector.load %arg5[%get3A_11, %get3A_12] : memref<1x64xf32, #tpu.memory_space<vmem>>, vector<1x64xf32>
    %add3A = arith.constant 9.99999974E-6 : f32
    %add3A_14 = vector.broadcast %add3A : f32 to vector<1x64xf32>
    %add3A_15 = arith.addf %sub3A, %add3A_14 : vector<1x64xf32>
    %sqrt3A = math.sqrt %add3A_15 : vector<1x64xf32>
    %div3A = arith.divf %get3A_13, %sqrt3A : vector<1x64xf32>
    %get3A_16 = arith.constant 0 : index
    %get3A_17 = arith.constant 0 : index
    %get3A_18 = vector.load %arg6[%get3A_16, %get3A_17] : memref<1x64xf32, #tpu.memory_space<vmem>>, vector<1x64xf32>
    %mul3A_19 = arith.mulf %mul3A_3, %div3A : vector<1x64xf32>
    %sub3A_20 = arith.subf %get3A_18, %mul3A_19 : vector<1x64xf32>
    %get3A_21 = arith.constant 0 : index
    %get3A_22 = arith.constant 0 : index
    %get3A_23 = arith.constant 0 : index
    %get3A_24 = arith.constant 0 : index
    %get3A_25 = vector.load %arg2[%get3A_21, %get3A_22, %get3A_23, %get3A_24] : memref<1x512x3x64xf32, #tpu.memory_space<vmem>>, vector<1x512x3x64xf32>
    %get3A_26 = vector.shape_cast %get3A_25 : vector<1x512x3x64xf32> to vector<512x3x64xf32>
    %slice3A = vector.extract_strided_slice %get3A_26 {offsets = [0, 0, 0], sizes = [512, 1, 64], strides = [1, 1, 1]} : vector<512x3x64xf32> to vector<512x1x64xf32>
    %squeeze3A = vector.shape_cast %slice3A : vector<512x1x64xf32> to vector<512x64xf32>
    %mul3A_27 = vector.broadcast %div3A : vector<1x64xf32> to vector<512x64xf32>
    %mul3A_28 = arith.mulf %squeeze3A, %mul3A_27 : vector<512x64xf32>
    %add3A_29 = vector.broadcast %sub3A_20 : vector<1x64xf32> to vector<512x64xf32>
    %add3A_30 = arith.addf %mul3A_28, %add3A_29 : vector<512x64xf32>
    %max3A = arith.constant 0.000000e+00 : f32
    %max3A_31 = vector.broadcast %max3A : f32 to vector<512x64xf32>
    %max3A_32 = arith.maximumf %add3A_30, %max3A_31 : vector<512x64xf32>
    %slice3A_33 = vector.extract_strided_slice %get3A_26 {offsets = [0, 1, 0], sizes = [512, 1, 64], strides = [1, 1, 1]} : vector<512x3x64xf32> to vector<512x1x64xf32>
    %squeeze3A_34 = vector.shape_cast %slice3A_33 : vector<512x1x64xf32> to vector<512x64xf32>
    %mul3A_35 = vector.broadcast %div3A : vector<1x64xf32> to vector<512x64xf32>
    %mul3A_36 = arith.mulf %squeeze3A_34, %mul3A_35 : vector<512x64xf32>
    %add3A_37 = vector.broadcast %sub3A_20 : vector<1x64xf32> to vector<512x64xf32>
    %add3A_38 = arith.addf %mul3A_36, %add3A_37 : vector<512x64xf32>
    %max3A_39 = arith.constant 0.000000e+00 : f32
    %max3A_40 = vector.broadcast %max3A_39 : f32 to vector<512x64xf32>
    %max3A_41 = arith.maximumf %add3A_38, %max3A_40 : vector<512x64xf32>
    %slice3A_42 = vector.extract_strided_slice %get3A_26 {offsets = [0, 2, 0], sizes = [512, 1, 64], strides = [1, 1, 1]} : vector<512x3x64xf32> to vector<512x1x64xf32>
    %squeeze3A_43 = vector.shape_cast %slice3A_42 : vector<512x1x64xf32> to vector<512x64xf32>
    %mul3A_44 = vector.broadcast %div3A : vector<1x64xf32> to vector<512x64xf32>
    %mul3A_45 = arith.mulf %squeeze3A_43, %mul3A_44 : vector<512x64xf32>
    %add3A_46 = vector.broadcast %sub3A_20 : vector<1x64xf32> to vector<512x64xf32>
    %add3A_47 = arith.addf %mul3A_45, %add3A_46 : vector<512x64xf32>
    %max3A_48 = arith.constant 0.000000e+00 : f32
    %max3A_49 = vector.broadcast %max3A_48 : f32 to vector<512x64xf32>
    %max3A_50 = arith.maximumf %add3A_47, %max3A_49 : vector<512x64xf32>
    %add3A_51 = arith.addf %max3A_41, %max3A_50 : vector<512x64xf32>
    %mul3A_52 = arith.constant 2.500000e-01 : f32
    %mul3A_53 = vector.broadcast %mul3A_52 : f32 to vector<512x64xf32>
    %mul3A_54 = arith.mulf %mul3A_53, %add3A_51 : vector<512x64xf32>
    %add3A_55 = arith.addf %max3A_32, %mul3A_54 : vector<512x64xf32>
    %swap3A = arith.constant 0 : index
    %swap3A_56 = arith.constant 0 : index
    %swap3A_57 = arith.constant 0 : index
    %swap3A_58 = vector.load %arg7[%swap3A, %swap3A_56, %swap3A_57] : memref<1x512x64xf32, #tpu.memory_space<vmem>>, vector<1x512x64xf32>
    %swap3A_59 = vector.shape_cast %swap3A_58 : vector<1x512x64xf32> to vector<512x64xf32>
    %swap3A_60 = vector.shape_cast %add3A_55 : vector<512x64xf32> to vector<1x512x64xf32>
    tpu.vector_store %arg7[%swap3A, %swap3A_56, %swap3A_57], %swap3A_60 {strides = array<i32>} : memref<1x512x64xf32, #tpu.memory_space<vmem>>, vector<1x512x64xf32>,
    return
  }
  func.func @transform_0(%arg0: i32, %arg1: i32) -> (i32, i32, i32, i32) {
    %c0_i32 = arith.constant 0 : i32
    %c0_i32_0 = arith.constant 0 : i32
    %c0_i32_1 = arith.constant 0 : i32
    return %arg0, %arg1, %c0_i32, %c0_i32_0 : i32, i32, i32, i32
  }
  func.func @transform_1(%arg0: i32, %arg1: i32) -> (i32, i32) {
    %c0_i32 = arith.constant 0 : i32
    %c0_i32_0 = arith.constant 0 : i32
    %c0_i32_1 = arith.constant 0 : i32
    return %c0_i32, %c0_i32_0 : i32, i32
  }
  func.func @transform_2(%arg0: i32, %arg1: i32) -> (i32, i32) {
    %c0_i32 = arith.constant 0 : i32
    %c0_i32_0 = arith.constant 0 : i32
    %c0_i32_1 = arith.constant 0 : i32
    return %c0_i32, %c0_i32_0 : i32, i32
  }
  func.func @transform_3(%arg0: i32, %arg1: i32) -> (i32, i32) {
    %c0_i32 = arith.constant 0 : i32
    %c0_i32_0 = arith.constant 0 : i32
    %c0_i32_1 = arith.constant 0 : i32
    return %c0_i32, %c0_i32_0 : i32, i32
  }
  func.func @transform_4(%arg0: i32, %arg1: i32) -> (i32, i32) {
    %c0_i32 = arith.constant 0 : i32
    %c0_i32_0 = arith.constant 0 : i32
    %c0_i32_1 = arith.constant 0 : i32
    return %c0_i32, %c0_i32_0 : i32, i32
  }
  func.func @transform_5(%arg0: i32, %arg1: i32) -> (i32, i32, i32) {
    %c0_i32 = arith.constant 0 : i32
    %c0_i32_0 = arith.constant 0 : i32
    return %arg0, %arg1, %c0_i32 : i32, i32, i32
  }
}

</mosaic_0001>

<sc_bundles>
// kernel: kernel.8.cloned.1.call-start
scs
__scs_entry_jumppad:
0x0: {  	(pc) =	sbr.rel $0x88, $3  }
0x1: {  	(tag) =	ssettag $0x0;
	lr =	simm.s32 $0x1  }
0x2: {  	[smem:$0x3F9B] =	sst lr;
	_ =	strace $0xD0000000  }
0x3: {  	_ = 	snop  }
0x4: {  	_ = 	snop  }
0x5: {  	_ = 	snop  }
0x6: {  	_ = 	snop  }
0x7: {  	_ = 	snop  }
__scs_overlays_trampoline_lowered:
0x8: {  	[smem:$0x3FAA] =	sst s0  }
0x9: {  	[smem:$0x3FAB] =	sst s1  }
0xa: {  	[smem:$0x3FAC] =	sst s2  }
0xb: {  	[smem:$0x3FAD] =	sst s3  }
0xc: {  	[smem:$0x3FAE] =	sst s4  }
0xd: {  	[smem:$0x3FAF] =	sst s5  }
0xe: {  	[smem:$0x3FB0] =	sst s6  }
0xf: {  	[smem:$0x3FB1] =	sst s7  }
0x10: {  	[smem:$0x3FB2] =	sst s8  }
0x11: {  	[smem:$0x3FB3] =	sst s9;
	s0 =	simm.s32 @!p0 $0x0  }
0x12: {  	s1 =	sld [smem:$0x3F99];
	s0 =	simm.s32 @p0 $0x1  }
0x13: {  	[smem:$0x3FB4] =	sst s0;
	s0 =	simm.s32 @!p1 $0x0  }
0x14: {  	s2 =	sld [smem:$0x3F98];
	s0 =	simm.s32 @p1 $0x1  }
0x15: {  	[smem:$0x3FB5] =	sst s0;
	s0 =	simm.s32 @!p2 $0x0  }
0x16: {  	s3 =	sld [smem:$0x3FDB];
	s0 =	simm.s32 @p2 $0x1  }
0x17: {  	s4 =	simm.s32 $0x1BF5;
	[smem:$0x3FB7] =	sst s0  }
0x18: {  	s0 =	sld [smem:$0x3F9A];
	_ =	swait.ge [sflag:s4], $0x0  }
0x19: {  	s7 =	sld [smem:$0x3F9B]  }
0x1a: {  	s8 =	sadd.s32 $0xFFFFE003, lr  }
0x1b: {  	s9 =	sadd.s32 $0xFFFFFEF7, lr;
	s5 =	simm.s32 $0xFFFFFFFF;
	p2 =	slt.u32 s8, $0xFFFFF086  }
0x1c: {  	p1 =	slt.u32 s9, $0xF7A;
	s5 =	simm.s32 @!p2 $0x0  }
0x1d: {  	s5 =	simm.s32 @p1 $0x1;
	p0 =	seq.s32 s7, s2  }
0x1e: {  	s7 =	smul.u32 @!p0 $0xF7A, s2;
	p2 =	seq.s32 @!p0 s5, $0x0  }
0x1f: {  	s9 =	smul.u32 $0xF7A, s1;
	s8 =	simm.s32 @!p0 $0x1BF5;
	p2 =	por !p2, p0  }
0x20: {  	[sflag:s8] =	ssyncset.s32 @!p0 $0xFFFFF086;
	s6 =	sadd.s32 @!p0 s3, s7;
	s7 =	simm.s32 @!p0 $0x108  }
0x21: {  	s3 =	sadd.s32 s3, s9;
	s6 =	sadd.s32 @!p0 $0x88, s6;
	s7 =	simm.s32 @p2 $0x1082  }
0x22: {  	[simem:s7], [sflag:s8] =	dma.local @!p0 [hbm:s6], $0xF7A  }
0x23: {  	s9 =	sor.u32 $0xD0000000, s2;
	s6 =	simm.s32 $0x108;
	_ =	swait.ge @!p0 [sflag:s8], $0x0  }
0x24: {  	s3 =	sadd.s32 $0x88, s3;
	s6 =	simm.s32 @!p1 $0x1082;
	[sflag:s4] =	ssyncset.s32 $0xFFFFF086  }
0x25: {  	[simem:s6], [sflag:s4] =	dma.local [hbm:s3], $0xF7A  }
0x26: {  	[smem:$0x3F9B] =	sst s1;
	(tag) =	ssettag s2;
	_ =	strace s9  }
0x27: {  	s1 =	sld [smem:$0x3FAB]  }
0x28: {  	s2 =	sld [smem:$0x3FAC]  }
0x29: {  	s4 =	sld [smem:$0x3FAE]  }
0x2a: {  	p0 =	seq.s32 s5, $0x0;
	s5 =	sld [smem:$0x3FAF]  }
0x2b: {  	s6 =	sld [smem:$0x3FB0]  }
0x2c: {  	s7 =	sld [smem:$0x3FB1]  }
0x2d: {  	s3 =	simm.s32 $0x108;
	s8 =	sld [smem:$0x3FB2]  }
0x2e: {  	s3 =	simm.s32 @!p0 $0x1082;
	s9 =	sld [smem:$0x3FB3]  }
0x2f: {  	lr =	sadd.s32 s0, s3;
	s0 =	sld [smem:$0x3FAA]  }
0x30: {  	s3 =	sld [smem:$0x3FAD]  }
0x31: {  	[smem:$0x3FB6] =	sst s10  }
0x32: {  	s10 =	sld [smem:$0x3FB4];
	_ =	sdelay $0x3  }
0x33: {  	p0 =	seq.s32 s10, $0x1;
	s10 =	sld [smem:$0x3FB6];
	_ =	sdelay $0x3  }
0x34: {  	[smem:$0x3FB6] =	sst s10  }
0x35: {  	s10 =	sld [smem:$0x3FB5];
	_ =	sdelay $0x3  }
0x36: {  	p1 =	seq.s32 s10, $0x1;
	s10 =	sld [smem:$0x3FB6];
	_ =	sdelay $0x3  }
0x37: {  	[smem:$0x3FB6] =	sst s10  }
0x38: {  	s10 =	sld [smem:$0x3FB7]  }
0x39: {  	_ = 	snop;
	(pc) =	sbr.ind lr, $3  }
0x3a: {  	_ = 	snop  }
0x3b: {  	_ = 	snop  }
0x3c: {  	p2 =	seq.s32 s10, $0x1;
	s10 =	sld [smem:$0x3FB6]  }
0x3d: {  	_ =	shalt  }
0x3e: {  	_ =	shalt  }
0x3f: {  	_ =	shalt  }
0x40: {  	_ =	shalt  }
0x41: {  	_ =	shalt  }
0x42: {  	_ =	shalt  }
0x43: {  	_ =	shalt  }
0x44: {  	_ =	shalt  }
0x45: {  	_ =	shalt  }
0x46: {  	_ =	shalt  }
0x47: {  	_ =	shalt  }
0x48: {  	_ =	shalt  }
0x49: {  	_ =	shalt  }
0x4a: {  	_ =	shalt  }
0x4b: {  	_ =	shalt  }
0x4c: {  	_ =	shalt  }
0x4d: {  	_ =	shalt  }
0x4e: {  	_ =	shalt  }
0x4f: {  	_ =	shalt  }
0x50: {  	_ =	shalt  }
0x51: {  	_ =	shalt  }
0x52: {  	_ =	shalt  }
0x53: {  	_ =	shalt  }
0x54: {  	_ =	shalt  }
0x55: {  	_ =	shalt  }
0x56: {  	_ =	shalt  }
0x57: {  	_ =	shalt  }
0x58: {  	_ =	shalt  }
0x59: {  	_ =	shalt  }
0x5a: {  	_ =	shalt  }
0x5b: {  	_ =	shalt  }
0x5c: {  	_ =	shalt  }
0x5d: {  	_ =	shalt  }
0x5e: {  	_ =	shalt  }
0x5f: {  	_ =	shalt  }
0x60: {  	_ =	shalt  }
0x61: {  	_ =	shalt  }
0x62: {  	_ =	shalt  }
0x63: {  	_ =	shalt  }
0x64: {  	_ =	shalt  }
0x65: {  	_ =	shalt  }
0x66: {  	_ =	shalt  }
0x67: {  	_ =	shalt  }
0x68: {  	_ =	shalt  }
0x69: {  	_ =	shalt  }
0x6a: {  	_ =	shalt  }
0x6b: {  	_ =	shalt  }
0x6c: {  	_ =	shalt  }
0x6d: {  	_ =	shalt  }
0x6e: {  	_ =	shalt  }
0x6f: {  	_ =	shalt  }
0x70: {  	_ =	shalt  }
0x71: {  	_ =	shalt  }
0x72: {  	_ =	shalt  }
0x73: {  	_ =	shalt  }
0x74: {  	_ =	shalt  }
0x75: {  	_ =	shalt  }
0x76: {  	_ =	shalt  }
0x77: {  	_ =	shalt  }
0x78: {  	_ =	shalt  }
0x79: {  	_ =	shalt  }
0x7a: {  	_ =	shalt  }
0x7b: {  	_ =	shalt  }
0x7c: {  	_ =	shalt  }
0x7d: {  	_ =	shalt  }
0x7e: {  	_ =	shalt  }
0x7f: {  	_ =	shalt  }
0x80: {  	_ =	shalt  }
0x81: {  	_ =	shalt  }
0x82: {  	_ =	shalt  }
0x83: {  	_ =	shalt  }
0x84: {  	_ =	shalt  }
0x85: {  	_ =	shalt  }
0x86: {  	_ =	shalt  }
0x87: {  	_ =	shalt  }
.Lfunc_end0:
.L_simem_size_0:
called_computation_lowered:
.L_overlay_start_0:
0x88: {  	s2 =	sld [smem:$0x3FD9]  }
0x89: {  	s3 =	sld [smem:$0x3FFE];
	_ =	sdelay $0x1  }
0x8a: {  	s1 =	srdreg.scid  }
0x8b: {  	s0 =	sand.u32 $0x1, s1  }
0x8c: {  	s14 =	sshll.u32 s0, $0xA;
	s2 =	sadd.s32 s3, s2  }
0x8d: {  	s2 =	sadd.s32 s2, s14  }
0x8e: {  	[smem:$0x3FC2] =	sst s2  }
0x8f: {  	_ = 	snop  }
0x90: {  	s2 =	sld [smem:$0x3FD0];
	_ =	sdelay $0x2  }
0x91: {  	s15 =	simm.s32 $0xA;
	s4 =	simm.s32 $0x10  }
0x92: {  	[smem:s4], [sflag:s15] =	dma.local [hbm:s2], $0x1  }
0x93: {  	_ =	swait.eq [sflag:s15], $0x1  }
0x94: {  	[sflag:s15] =	ssyncset.done $0x0  }
0x95: {  	[sflag:s15] =	ssyncadd.s32 $0xFFFFFFFF  }
0x96: {  	s16 =	sld [smem:$0x11];
	(tm) =	ssettm $0x1  }
0x97: {  	s17 =	sld [smem:$0x3FFB];
	_ =	sdelay $0x3  }
0x98: {  	_ =	strace s17  }
0x99: {  	s3 =	sld [smem:$0x3FFC];
	_ =	sdelay $0x3  }
0x9a: {  	_ =	strace s3  }
0x9b: {  	s3 =	sld [smem:$0x3FFD];
	_ =	sdelay $0x3  }
0x9c: {  	_ =	strace s3  }
0x9d: {  	_ =	strace $0x8FFFFFFF  }
0x9e: {  	s18 =	sld [smem:$0x3FDB];
	_ =	sdelay $0x1  }
0x9f: {  	s19 =	simm.s32 $_scs_section_size  }
0xa0: {  	s5 =	simm.s32 $_size__tile_overlayer_lowered;
	s6 =	simm.s32 $_tile_overlayer_lowered  }
0xa1: {  	s22 =	simm.s32 $0x1BFF;
	s21 =	sshll.u32 s6, $0x1;
	s3 =	sadd.s32 s19, s18  }
0xa2: {  	s7 =	simm.s32 $0x0;
	s20 =	sshll.u32 s5, $0x1;
	s5 =	sadd.s32 s21, s3  }
0xa3: {  	[timem:s7], [sflag:s22] =	dma.local [hbm:s5], s20  }
0xa4: {  	_ =	swait.ge [sflag:s22], s20  }
0xa5: {  	s4 =	ssub.s32 $0x0, s20;
	[sflag:s22] =	ssyncset.done $0x0  }
0xa6: {  	[sflag:s22] =	ssyncadd.s32 s4;
	_ =	sdelay $0x1  }
0xa7: {  	s23 =	simm.s32 $0x1B8B  }
0xa8: {  	_ =	swait.ge [sflag:s23], $0x1  }
0xa9: {  	[sflag:s23] =	ssyncset.done $0x0  }
0xaa: {  	s25 =	simm.s32 $0x1B8E;
	s24 =	sld [smem:$0x3FFE];
	[sflag:s23] =	ssyncadd.s32 $0xFFFFFFFF  }
0xab: {  	s26 =	simm.s32 $execute0_lowered;
	[smem:$0x3FD2] =	sst s25  }
0xac: {  	s5 =	sshll.u32 s26, $0x1;
	_ =	strace $0x80000046;
	[dreg:$0x1] =	wrdreg $0xFFFFFFFF  }
0xad: {  	s28 =	simm.s32 $_size_execute0_lowered;
	s3 =	sadd.s32 s3, s5;
	[dreg:$0x0] =	wrdreg $0x0  }
0xae: {  	s5 =	sshll.u32 s28, $0x1;
	[dreg:$0x2] =	wrdreg s3  }
0xaf: {  	[dreg:$0x3] =	wrdreg s5  }
0xb0: {  	[dreg:$0x4] =	wrdreg $0xC0  }
0xb1: {  	_ =	task [dreg:s7], $0x5FFFF  }
0xb2: {  	[dreg:$0x1] =	wrdreg $0xFFFFFFFF  }
0xb3: {  	[dreg:$0x0] =	wrdreg $0x60  }
0xb4: {  	[dreg:$0x2] =	wrdreg s24  }
0xb5: {  	[dreg:$0x3] =	wrdreg s16  }
0xb6: {  	[dreg:$0x4] =	wrdreg $0x9  }
0xb7: {  	_ =	task.clear_ibuf [dreg:s7], $0x5FFFF;
	_ =	strace $0x90000046  }
0xb8: {  	s29 =	simm.s32 $0x9;
	_ =	strace $0x80000048  }
0xb9: {  	_ =	swait.ge [sflag:s29], $0x1  }
0xba: {  	[sflag:s29] =	ssyncadd.s32 $0xFFFFFFFF  }
0xbb: {  	_ =	strace $0x90000048  }
0xbc: {  	_ =	sfence  }
0xbd: {  	s30 =	sld [smem:$0x0];
	_ =	sdelay $0x2  }
0xbe: {  	s31 =	sshll.u32 s1, $0xD;
	s1 =	sshrl.u32 s1, $0x2  }
0xbf: {  	s3 =	sand.u32 $0x4000, s31;
	s1 =	sadd.s32 s1, s30  }
0xc0: {  	s0 =	sor.u32 s3, s0;
	s1 =	sshll.u32 s1, $0x11  }
0xc1: {  	s0 =	sor.u32 s1, s0  }
0xc2: {  	s0 =	sadd.s32 $0x8F2B, s0  }
0xc3: {  	[sflag:s0] =	ssyncadd.remote.s32 $0x1  }
0xc4: {  	_ =	sfence.sel $0xFFFF  }
0xc5: {  	[dreg:$0x0] =	wrdreg $0xFFFFFFFF;
	(pc) =	sbr.abs _section_cstart, $3  }
0xc6: {  	[dreg:$0x1] =	wrdreg $0xFFFFFFFF  }
0xc7: {  	_ =	task.clear_ibuf [dreg:s7], $0x2FFFF;
	_ =	strace $0x9FFFFFFF  }
0xc8: {  	(tm) =	ssettm $0x7FFFFFFF  }
0xc9: {  	_ =	shalt  }
tec
execute0_lowered:
.L_overlay_start_1:
0x0: {  	(tag) =	ssettag $0x1  }
0x1: {  	s4 =	rddreg [dreg:$0x0]  }
0x2: {  	s30 =	rddreg [dreg:$0x1];
	s0 =	srdreg.scid;
	s2 =	simm.s32 $0x0  }
0x3: {  	s1 =	stileid.u32;
	s3 =	sand.u32 $0x1, s0;
	[smem:$0x7FF] =	sst s2  }
0x4: {  	s5 =	sshll.u32 s1, $0xE;
	[dreg:$0xb] =	wrdreg s3;
	s6 =	sshll.u32 s3, $0xD  }
0x5: {  	s0 =	sadd.s32 $0xE4600, s4;
	s1 =	sor.u32 s6, s5;
	_ =	strace $0x80000047  }
0x6: {  	[dreg:$0xc] =	wrdreg s0;
	s7 =	sshrl.u32 s1, $0x3;
	s5 =	sshll.u32 s1, $0x4  }
0x7: {  	s9 =	sor.u32 $0x200, s1;
	s6 =	sor.u32 $0x400, s1;
	s3 =	sadd.s32 s30, s7  }
0x8: {  	s8 =	sadd.s32 s0, s5;
	s10 =	sshrl.u32 s9, $0x3;
	[dreg:$0x3] =	wrdreg s3  }
0x9: {  	s5 =	sshll.u32 s9, $0x4;
	[dreg:$0x4] =	wrdreg s8;
	s3 =	sadd.s32 s30, s10  }
0xa: {  	s12 =	sshrl.u32 s6, $0x3;
	s11 =	sadd.s32 s0, s5;
	[dreg:$0x5] =	wrdreg s3  }
0xb: {  	s14 =	sshll.u32 s6, $0x4;
	s13 =	sadd.s32 s30, s12;
	[dreg:$0x6] =	wrdreg s11  }
0xc: {  	s16 =	sor.u32 $0x600, s1;
	s15 =	sadd.s32 s0, s14;
	[dreg:$0x7] =	wrdreg s13  }
0xd: {  	s17 =	sshrl.u32 s16, $0x3;
	[dreg:$0x8] =	wrdreg s15  }
0xe: {  	s5 =	sshll.u32 s16, $0x4;
	s3 =	sadd.s32 s30, s17;
	s18 =	rddreg [dreg:$0x3]  }
0xf: {  	s19 =	sadd.s32 s0, s5;
	[dreg:$0x9] =	wrdreg s3  }
0x10: {  	[dreg:$0xa] =	wrdreg s19;
	s3 =	simm.s32 $0x2  }
0x11: {  	[tilespmem:s2], [sflag:$0x2] =	stream.linear.gather [hbm4b:s18+s2], $0x200, $0x38;
	[tilespmem:$0x10200] =	vst v63  }
0x12: {  	_ =	swait.ge [sflag:s3], $0x200  }
0x13: {  	s4 =	sadd.s32 $0x3C00, s4;
	[sflag:s3] =	ssyncset.done $0x0  }
0x14: {  	s6 =	simm.s32 $0x1;
	s5 =	simm.s32 $0x200;
	[sflag:s3] =	ssyncadd.s32 $0xFFFFFE00  }
0x15: {  	[tilespmem:s5], [sflag:$0x1] =	stream.indirect.gather [hbm4b:s4+s5], $0x80, s2, s5, $0xb8;
	[tilespmem:$0x10200] =	vst v63  }
0x16: {  	_ =	swait.ge [sflag:s6], $0x10000  }
0x17: {  	[sflag:s6] =	ssyncset.done $0x0  }
0x18: {  	s7 =	rddreg [dreg:$0x4];
	[sflag:s6] =	ssyncadd.s32 $0xFFFF0000  }
0x19: {  	[hbm4b:s7+s2] =	stream.linear.scatter [tilespmem:s5], [sflag:$0x2], $0x10000, $0x38;
	[tilespmem:$0x10200] =	vst v63  }
0x1a: {  	_ =	swait.ge [sflag:s3], $0x10000  }
0x1b: {  	[sflag:s3] =	ssyncset.done $0x0  }
0x1c: {  	s20 =	rddreg [dreg:$0x5];
	[sflag:s3] =	ssyncadd.s32 $0xFFFF0000  }
0x1d: {  	[tilespmem:s2], [sflag:$0x2] =	stream.linear.gather [hbm4b:s20+s2], $0x200, $0x38;
	[tilespmem:$0x10200] =	vst v63  }
0x1e: {  	_ =	swait.ge [sflag:s3], $0x200  }
0x1f: {  	[sflag:s3] =	ssyncset.done $0x0  }
0x20: {  	[sflag:s3] =	ssyncadd.s32 $0xFFFFFE00  }
0x21: {  	[tilespmem:s5], [sflag:$0x1] =	stream.indirect.gather [hbm4b:s4+s5], $0x80, s2, s5, $0xb8;
	[tilespmem:$0x10200] =	vst v63  }
0x22: {  	_ =	swait.ge [sflag:s6], $0x10000  }
0x23: {  	[sflag:s6] =	ssyncset.done $0x0  }
0x24: {  	s21 =	rddreg [dreg:$0x6];
	[sflag:s6] =	ssyncadd.s32 $0xFFFF0000  }
0x25: {  	[hbm4b:s21+s2] =	stream.linear.scatter [tilespmem:s5], [sflag:$0x2], $0x10000, $0x38;
	[tilespmem:$0x10200] =	vst v63  }
0x26: {  	_ =	swait.ge [sflag:s3], $0x10000  }
0x27: {  	[sflag:s3] =	ssyncset.done $0x0  }
0x28: {  	s22 =	rddreg [dreg:$0x7];
	[sflag:s3] =	ssyncadd.s32 $0xFFFF0000  }
0x29: {  	[tilespmem:s2], [sflag:$0x2] =	stream.linear.gather [hbm4b:s22+s2], $0x200, $0x38;
	[tilespmem:$0x10200] =	vst v63  }
0x2a: {  	_ =	swait.ge [sflag:s3], $0x200  }
0x2b: {  	[sflag:s3] =	ssyncset.done $0x0  }
0x2c: {  	[sflag:s3] =	ssyncadd.s32 $0xFFFFFE00  }
0x2d: {  	[tilespmem:s5], [sflag:$0x1] =	stream.indirect.gather [hbm4b:s4+s5], $0x80, s2, s5, $0xb8;
	[tilespmem:$0x10200] =	vst v63  }
0x2e: {  	_ =	swait.ge [sflag:s6], $0x10000  }
0x2f: {  	[sflag:s6] =	ssyncset.done $0x0  }
0x30: {  	s23 =	rddreg [dreg:$0x8];
	[sflag:s6] =	ssyncadd.s32 $0xFFFF0000  }
0x31: {  	[hbm4b:s23+s2] =	stream.linear.scatter [tilespmem:s5], [sflag:$0x2], $0x10000, $0x38;
	[tilespmem:$0x10200] =	vst v63  }
0x32: {  	_ =	swait.ge [sflag:s3], $0x10000  }
0x33: {  	[sflag:s3] =	ssyncset.done $0x0  }
0x34: {  	s24 =	rddreg [dreg:$0x9];
	[sflag:s3] =	ssyncadd.s32 $0xFFFF0000  }
0x35: {  	[tilespmem:s2], [sflag:$0x2] =	stream.linear.gather [hbm4b:s24+s2], $0x200, $0x38;
	[tilespmem:$0x10200] =	vst v63  }
0x36: {  	_ =	swait.ge [sflag:s3], $0x200  }
0x37: {  	[sflag:s3] =	ssyncset.done $0x0  }
0x38: {  	[sflag:s3] =	ssyncadd.s32 $0xFFFFFE00  }
0x39: {  	[tilespmem:s5], [sflag:$0x1] =	stream.indirect.gather [hbm4b:s4+s5], $0x80, s2, s5, $0xb8;
	[tilespmem:$0x10200] =	vst v63  }
0x3a: {  	_ =	swait.ge [sflag:s6], $0x10000  }
0x3b: {  	[sflag:s6] =	ssyncset.done $0x0  }
0x3c: {  	s25 =	rddreg [dreg:$0xa];
	[sflag:s6] =	ssyncadd.s32 $0xFFFF0000  }
0x3d: {  	[hbm4b:s25+s2] =	stream.linear.scatter [tilespmem:s5], [sflag:$0x2], $0x10000, $0x38;
	[tilespmem:$0x10200] =	vst v63  }
0x3e: {  	s8 =	sor.u32 $0x800, s1;
	_ =	swait.ge [sflag:s3], $0x10000  }
0x3f: {  	s26 =	sshrl.u32 s8, $0x3;
	[sflag:s3] =	ssyncset.done $0x0  }
0x40: {  	s7 =	sadd.s32 s30, s26;
	[sflag:s3] =	ssyncadd.s32 $0xFFFF0000  }
0x41: {  	[tilespmem:s2], [sflag:$0x2] =	stream.linear.gather [hbm4b:s7+s2], $0x200, $0x38;
	[tilespmem:$0x10200] =	vst v63  }
0x42: {  	_ =	swait.ge [sflag:s3], $0x200  }
0x43: {  	[sflag:s3] =	ssyncset.done $0x0  }
0x44: {  	[sflag:s3] =	ssyncadd.s32 $0xFFFFFE00  }
0x45: {  	[tilespmem:s5], [sflag:$0x1] =	stream.indirect.gather [hbm4b:s4+s5], $0x80, s2, s5, $0xb8;
	[tilespmem:$0x10200] =	vst v63  }
0x46: {  	_ =	swait.ge [sflag:s6], $0x10000  }
0x47: {  	s8 =	sshll.u32 s8, $0x4;
	[sflag:s6] =	ssyncset.done $0x0  }
0x48: {  	s8 =	sadd.s32 s0, s8;
	[sflag:s6] =	ssyncadd.s32 $0xFFFF0000  }
0x49: {  	[hbm4b:s8+s2] =	stream.linear.scatter [tilespmem:s5], [sflag:$0x2], $0x10000, $0x38;
	[tilespmem:$0x10200] =	vst v63  }
0x4a: {  	s10 =	sor.u32 $0xA00, s1;
	_ =	swait.ge [sflag:s3], $0x10000  }
0x4b: {  	s9 =	sshrl.u32 s10, $0x3;
	[sflag:s3] =	ssyncset.done $0x0  }
0x4c: {  	s9 =	sadd.s32 s30, s9;
	[sflag:s3] =	ssyncadd.s32 $0xFFFF0000  }
0x4d: {  	[tilespmem:s2], [sflag:$0x2] =	stream.linear.gather [hbm4b:s9+s2], $0x200, $0x38;
	[tilespmem:$0x10200] =	vst v63  }
0x4e: {  	_ =	swait.ge [sflag:s3], $0x200  }
0x4f: {  	[sflag:s3] =	ssyncset.done $0x0  }
0x50: {  	[sflag:s3] =	ssyncadd.s32 $0xFFFFFE00  }
0x51: {  	[tilespmem:s5], [sflag:$0x1] =	stream.indirect.gather [hbm4b:s4+s5], $0x80, s2, s5, $0xb8;
	[tilespmem:$0x10200] =	vst v63  }
0x52: {  	_ =	swait.ge [sflag:s6], $0x10000  }
0x53: {  	s10 =	sshll.u32 s10, $0x4;
	[sflag:s6] =	ssyncset.done $0x0  }
0x54: {  	s10 =	sadd.s32 s0, s10;
	[sflag:s6] =	ssyncadd.s32 $0xFFFF0000  }
0x55: {  	[hbm4b:s10+s2] =	stream.linear.scatter [tilespmem:s5], [sflag:$0x2], $0x10000, $0x38;
	[tilespmem:$0x10200] =	vst v63  }
0x56: {  	s12 =	sor.u32 $0xC00, s1;
	_ =	swait.ge [sflag:s3], $0x10000  }
0x57: {  	s11 =	sshrl.u32 s12, $0x3;
	[sflag:s3] =	ssyncset.done $0x0  }
0x58: {  	s11 =	sadd.s32 s30, s11;
	[sflag:s3] =	ssyncadd.s32 $0xFFFF0000  }
0x59: {  	[tilespmem:s2], [sflag:$0x2] =	stream.linear.gather [hbm4b:s11+s2], $0x200, $0x38;
	[tilespmem:$0x10200] =	vst v63  }
0x5a: {  	_ =	swait.ge [sflag:s3], $0x200  }
0x5b: {  	[sflag:s3] =	ssyncset.done $0x0  }
0x5c: {  	[sflag:s3] =	ssyncadd.s32 $0xFFFFFE00  }
0x5d: {  	[tilespmem:s5], [sflag:$0x1] =	stream.indirect.gather [hbm4b:s4+s5], $0x80, s2, s5, $0xb8;
	[tilespmem:$0x10200] =	vst v63  }
0x5e: {  	_ =	swait.ge [sflag:s6], $0x10000  }
0x5f: {  	s12 =	sshll.u32 s12, $0x4;
	[sflag:s6] =	ssyncset.done $0x0  }
0x60: {  	s12 =	sadd.s32 s0, s12;
	[sflag:s6] =	ssyncadd.s32 $0xFFFF0000  }
0x61: {  	[hbm4b:s12+s2] =	stream.linear.scatter [tilespmem:s5], [sflag:$0x2], $0x10000, $0x38;
	[tilespmem:$0x10200] =	vst v63  }
0x62: {  	s14 =	sor.u32 $0xE00, s1;
	_ =	swait.ge [sflag:s3], $0x10000  }
0x63: {  	s13 =	sshrl.u32 s14, $0x3;
	[sflag:s3] =	ssyncset.done $0x0  }
0x64: {  	s13 =	sadd.s32 s30, s13;
	[sflag:s3] =	ssyncadd.s32 $0xFFFF0000  }
0x65: {  	[tilespmem:s2], [sflag:$0x2] =	stream.linear.gather [hbm4b:s13+s2], $0x200, $0x38;
	[tilespmem:$0x10200] =	vst v63  }
0x66: {  	_ =	swait.ge [sflag:s3], $0x200  }
0x67: {  	[sflag:s3] =	ssyncset.done $0x0  }
0x68: {  	[sflag:s3] =	ssyncadd.s32 $0xFFFFFE00  }
0x69: {  	[tilespmem:s5], [sflag:$0x1] =	stream.indirect.gather [hbm4b:s4+s5], $0x80, s2, s5, $0xb8;
	[tilespmem:$0x10200] =	vst v63  }
0x6a: {  	_ =	swait.ge [sflag:s6], $0x10000  }
0x6b: {  	s14 =	sshll.u32 s14, $0x4;
	[sflag:s6] =	ssyncset.done $0x0  }
0x6c: {  	s14 =	sadd.s32 s0, s14;
	[sflag:s6] =	ssyncadd.s32 $0xFFFF0000  }
0x6d: {  	[hbm4b:s14+s2] =	stream.linear.scatter [tilespmem:s5], [sflag:$0x2], $0x10000, $0x38;
	[tilespmem:$0x10200] =	vst v63  }
0x6e: {  	s16 =	sor.u32 $0x1000, s1;
	_ =	swait.ge [sflag:s3], $0x10000  }
0x6f: {  	s15 =	sshrl.u32 s16, $0x3;
	[sflag:s3] =	ssyncset.done $0x0  }
0x70: {  	s15 =	sadd.s32 s30, s15;
	[sflag:s3] =	ssyncadd.s32 $0xFFFF0000  }
0x71: {  	[tilespmem:s2], [sflag:$0x2] =	stream.linear.gather [hbm4b:s15+s2], $0x200, $0x38;
	[tilespmem:$0x10200] =	vst v63  }
0x72: {  	_ =	swait.ge [sflag:s3], $0x200  }
0x73: {  	[sflag:s3] =	ssyncset.done $0x0  }
0x74: {  	[sflag:s3] =	ssyncadd.s32 $0xFFFFFE00  }
0x75: {  	[tilespmem:s5], [sflag:$0x1] =	stream.indirect.gather [hbm4b:s4+s5], $0x80, s2, s5, $0xb8;
	[tilespmem:$0x10200] =	vst v63  }
0x76: {  	_ =	swait.ge [sflag:s6], $0x10000  }
0x77: {  	s16 =	sshll.u32 s16, $0x4;
	[sflag:s6] =	ssyncset.done $0x0  }
0x78: {  	s16 =	sadd.s32 s0, s16;
	[sflag:s6] =	ssyncadd.s32 $0xFFFF0000  }
0x79: {  	[hbm4b:s16+s2] =	stream.linear.scatter [tilespmem:s5], [sflag:$0x2], $0x10000, $0x38;
	[tilespmem:$0x10200] =	vst v63  }
0x7a: {  	s18 =	sor.u32 $0x1200, s1;
	_ =	swait.ge [sflag:s3], $0x10000  }
0x7b: {  	s17 =	sshrl.u32 s18, $0x3;
	[sflag:s3] =	ssyncset.done $0x0  }
0x7c: {  	s17 =	sadd.s32 s30, s17;
	[sflag:s3] =	ssyncadd.s32 $0xFFFF0000  }
0x7d: {  	[tilespmem:s2], [sflag:$0x2] =	stream.linear.gather [hbm4b:s17+s2], $0x200, $0x38;
	[tilespmem:$0x10200] =	vst v63  }
0x7e: {  	_ =	swait.ge [sflag:s3], $0x200  }
0x7f: {  	[sflag:s3] =	ssyncset.done $0x0  }
0x80: {  	[sflag:s3] =	ssyncadd.s32 $0xFFFFFE00  }
0x81: {  	[tilespmem:s5], [sflag:$0x1] =	stream.indirect.gather [hbm4b:s4+s5], $0x80, s2, s5, $0xb8;
	[tilespmem:$0x10200] =	vst v63  }
0x82: {  	_ =	swait.ge [sflag:s6], $0x10000  }
0x83: {  	s18 =	sshll.u32 s18, $0x4;
	[sflag:s6] =	ssyncset.done $0x0  }
0x84: {  	s18 =	sadd.s32 s0, s18;
	[sflag:s6] =	ssyncadd.s32 $0xFFFF0000  }
0x85: {  	[hbm4b:s18+s2] =	stream.linear.scatter [tilespmem:s5], [sflag:$0x2], $0x10000, $0x38;
	[tilespmem:$0x10200] =	vst v63  }
0x86: {  	s20 =	sor.u32 $0x1400, s1;
	_ =	swait.ge [sflag:s3], $0x10000  }
0x87: {  	s19 =	sshrl.u32 s20, $0x3;
	[sflag:s3] =	ssyncset.done $0x0  }
0x88: {  	s19 =	sadd.s32 s30, s19;
	[sflag:s3] =	ssyncadd.s32 $0xFFFF0000  }
0x89: {  	[tilespmem:s2], [sflag:$0x2] =	stream.linear.gather [hbm4b:s19+s2], $0x200, $0x38;
	[tilespmem:$0x10200] =	vst v63  }
0x8a: {  	_ =	swait.ge [sflag:s3], $0x200  }
0x8b: {  	[sflag:s3] =	ssyncset.done $0x0  }
0x8c: {  	[sflag:s3] =	ssyncadd.s32 $0xFFFFFE00  }
0x8d: {  	[tilespmem:s5], [sflag:$0x1] =	stream.indirect.gather [hbm4b:s4+s5], $0x80, s2, s5, $0xb8;
	[tilespmem:$0x10200] =	vst v63  }
0x8e: {  	_ =	swait.ge [sflag:s6], $0x10000  }
0x8f: {  	s20 =	sshll.u32 s20, $0x4;
	[sflag:s6] =	ssyncset.done $0x0  }
0x90: {  	s20 =	sadd.s32 s0, s20;
	[sflag:s6] =	ssyncadd.s32 $0xFFFF0000  }
0x91: {  	[hbm4b:s20+s2] =	stream.linear.scatter [tilespmem:s5], [sflag:$0x2], $0x10000, $0x38;
	[tilespmem:$0x10200] =	vst v63  }
0x92: {  	s22 =	sor.u32 $0x1600, s1;
	_ =	swait.ge [sflag:s3], $0x10000  }
0x93: {  	s21 =	sshrl.u32 s22, $0x3;
	[sflag:s3] =	ssyncset.done $0x0  }
0x94: {  	s21 =	sadd.s32 s30, s21;
	[sflag:s3] =	ssyncadd.s32 $0xFFFF0000  }
0x95: {  	[tilespmem:s2], [sflag:$0x2] =	stream.linear.gather [hbm4b:s21+s2], $0x200, $0x38;
	[tilespmem:$0x10200] =	vst v63  }
0x96: {  	_ =	swait.ge [sflag:s3], $0x200  }
0x97: {  	[sflag:s3] =	ssyncset.done $0x0  }
0x98: {  	[sflag:s3] =	ssyncadd.s32 $0xFFFFFE00  }
0x99: {  	[tilespmem:s5], [sflag:$0x1] =	stream.indirect.gather [hbm4b:s4+s5], $0x80, s2, s5, $0xb8;
	[tilespmem:$0x10200] =	vst v63  }
0x9a: {  	_ =	swait.ge [sflag:s6], $0x10000  }
0x9b: {  	s22 =	sshll.u32 s22, $0x4;
	[sflag:s6] =	ssyncset.done $0x0  }
0x9c: {  	s22 =	sadd.s32 s0, s22;
	[sflag:s6] =	ssyncadd.s32 $0xFFFF0000  }
0x9d: {  	[hbm4b:s22+s2] =	stream.linear.scatter [tilespmem:s5], [sflag:$0x2], $0x10000, $0x38;
	[tilespmem:$0x10200] =	vst v63  }
0x9e: {  	s24 =	sor.u32 $0x1800, s1;
	_ =	swait.ge [sflag:s3], $0x10000  }
0x9f: {  	s23 =	sshrl.u32 s24, $0x3;
	[sflag:s3] =	ssyncset.done $0x0  }
0xa0: {  	s23 =	sadd.s32 s30, s23;
	[sflag:s3] =	ssyncadd.s32 $0xFFFF0000  }
0xa1: {  	[tilespmem:s2], [sflag:$0x2] =	stream.linear.gather [hbm4b:s23+s2], $0x200, $0x38;
	[tilespmem:$0x10200] =	vst v63  }
0xa2: {  	_ =	swait.ge [sflag:s3], $0x200  }
0xa3: {  	[sflag:s3] =	ssyncset.done $0x0  }
0xa4: {  	[sflag:s3] =	ssyncadd.s32 $0xFFFFFE00  }
0xa5: {  	[tilespmem:s5], [sflag:$0x1] =	stream.indirect.gather [hbm4b:s4+s5], $0x80, s2, s5, $0xb8;
	[tilespmem:$0x10200] =	vst v63  }
0xa6: {  	_ =	swait.ge [sflag:s6], $0x10000  }
0xa7: {  	s24 =	sshll.u32 s24, $0x4;
	[sflag:s6] =	ssyncset.done $0x0  }
0xa8: {  	s24 =	sadd.s32 s0, s24;
	[sflag:s6] =	ssyncadd.s32 $0xFFFF0000  }
0xa9: {  	[hbm4b:s24+s2] =	stream.linear.scatter [tilespmem:s5], [sflag:$0x2], $0x10000, $0x38;
	[tilespmem:$0x10200] =	vst v63  }
0xaa: {  	s26 =	sor.u32 $0x1A00, s1;
	_ =	swait.ge [sflag:s3], $0x10000  }
0xab: {  	s25 =	sshrl.u32 s26, $0x3;
	[sflag:s3] =	ssyncset.done $0x0  }
0xac: {  	s25 =	sadd.s32 s30, s25;
	[sflag:s3] =	ssyncadd.s32 $0xFFFF0000  }
0xad: {  	[tilespmem:s2], [sflag:$0x2] =	stream.linear.gather [hbm4b:s25+s2], $0x200, $0x38;
	[tilespmem:$0x10200] =	vst v63  }
0xae: {  	_ =	swait.ge [sflag:s3], $0x200  }
0xaf: {  	[sflag:s3] =	ssyncset.done $0x0  }
0xb0: {  	[sflag:s3] =	ssyncadd.s32 $0xFFFFFE00  }
0xb1: {  	[tilespmem:s5], [sflag:$0x1] =	stream.indirect.gather [hbm4b:s4+s5], $0x80, s2, s5, $0xb8;
	[tilespmem:$0x10200] =	vst v63  }
0xb2: {  	_ =	swait.ge [sflag:s6], $0x10000  }
0xb3: {  	s26 =	sshll.u32 s26, $0x4;
	[sflag:s6] =	ssyncset.done $0x0  }
0xb4: {  	s26 =	sadd.s32 s0, s26;
	[sflag:s6] =	ssyncadd.s32 $0xFFFF0000  }
0xb5: {  	[hbm4b:s26+s2] =	stream.linear.scatter [tilespmem:s5], [sflag:$0x2], $0x10000, $0x38;
	[tilespmem:$0x10200] =	vst v63  }
0xb6: {  	s29 =	sor.u32 $0x1C00, s1;
	_ =	swait.ge [sflag:s3], $0x10000  }
0xb7: {  	s28 =	sshrl.u32 s29, $0x3;
	[sflag:s3] =	ssyncset.done $0x0  }
0xb8: {  	s28 =	sadd.s32 s30, s28;
	[sflag:s3] =	ssyncadd.s32 $0xFFFF0000  }
0xb9: {  	[tilespmem:s2], [sflag:$0x2] =	stream.linear.gather [hbm4b:s28+s2], $0x200, $0x38;
	[tilespmem:$0x10200] =	vst v63  }
0xba: {  	_ =	swait.ge [sflag:s3], $0x200  }
0xbb: {  	[sflag:s3] =	ssyncset.done $0x0  }
0xbc: {  	[sflag:s3] =	ssyncadd.s32 $0xFFFFFE00  }
0xbd: {  	[tilespmem:s5], [sflag:$0x1] =	stream.indirect.gather [hbm4b:s4+s5], $0x80, s2, s5, $0xb8;
	[tilespmem:$0x10200] =	vst v63  }
0xbe: {  	_ =	swait.ge [sflag:s6], $0x10000  }
0xbf: {  	s29 =	sshll.u32 s29, $0x4;
	[sflag:s6] =	ssyncset.done $0x0  }
0xc0: {  	s29 =	sadd.s32 s0, s29;
	[sflag:s6] =	ssyncadd.s32 $0xFFFF0000  }
0xc1: {  	[hbm4b:s29+s2] =	stream.linear.scatter [tilespmem:s5], [sflag:$0x2], $0x10000, $0x38;
	[tilespmem:$0x10200] =	vst v63  }
0xc2: {  	s1 =	sor.u32 $0x1E00, s1;
	_ =	swait.ge [sflag:s3], $0x10000  }
0xc3: {  	s31 =	sshrl.u32 s1, $0x3;
	[sflag:s3] =	ssyncset.done $0x0  }
0xc4: {  	s30 =	sadd.s32 s30, s31;
	[sflag:s3] =	ssyncadd.s32 $0xFFFF0000  }
0xc5: {  	[tilespmem:s2], [sflag:$0x2] =	stream.linear.gather [hbm4b:s30+s2], $0x200, $0x38;
	[tilespmem:$0x10200] =	vst v63  }
0xc6: {  	_ =	swait.ge [sflag:s3], $0x200  }
0xc7: {  	[sflag:s3] =	ssyncset.done $0x0;
	s0 =	rddreg [dreg:$0xb]  }
0xc8: {  	s31 =	ssub.s32 $0x2, s0;
	[sflag:s3] =	ssyncadd.s32 $0xFFFFFE00  }
0xc9: {  	[tilespmem:s5], [sflag:$0x1] =	stream.indirect.gather [hbm4b:s4+s5], $0x80, s2, s5, $0xb8;
	[tilespmem:$0x10200] =	vst v63  }
0xca: {  	s0 =	sshrl.u32 s31, $0x1  }
0xcb: {  	s0 =	ssub.s32 s31, s0  }
0xcc: {  	s0 =	smax.u32 s0, $0x1  }
0xcd: {  	p0 =	sne.s32 s0, $0x1  }
.Ltmp0:
0xce: {  	_ =	swait.ge [sflag:s6], $0x10000;
	(pc) =	sbr.rel @!p0 .LBB2_2-.Ltmp0, $4  }
0xcf: {  	s1 =	sshll.u32 s1, $0x4;
	[sflag:s6] =	ssyncset.done $0x0;
	s31 =	rddreg [dreg:$0xc]  }
0xd0: {  	s31 =	sadd.s32 s31, s1;
	[sflag:s6] =	ssyncadd.s32 $0xFFFF0000  }
0xd1: {  	[hbm4b:s31+s2] =	stream.linear.scatter [tilespmem:s5], [sflag:$0x2], $0x10000, $0x38;
	[tilespmem:$0x10200] =	vst v63  }
0xd2: {  	s0 =	sadd.s32 $0xFFFFFFFF, s0;
	_ =	swait.ge [sflag:s3], $0x10000  }
.LBB2_1:
0xd3: {  	[sflag:s3] =	ssyncset.done $0x0  }
0xd4: {  	s1 =	rddreg [dreg:$0x3];
	[sflag:s3] =	ssyncadd.s32 $0xFFFF0000  }
0xd5: {  	[tilespmem:s2], [sflag:$0x2] =	stream.linear.gather [hbm4b:s1+s2], $0x200, $0x38;
	[tilespmem:$0x10200] =	vst v63  }
0xd6: {  	_ =	swait.ge [sflag:s3], $0x200  }
0xd7: {  	[sflag:s3] =	ssyncset.done $0x0  }
0xd8: {  	[sflag:s3] =	ssyncadd.s32 $0xFFFFFE00  }
0xd9: {  	[tilespmem:s5], [sflag:$0x1] =	stream.indirect.gather [hbm4b:s4+s5], $0x80, s2, s5, $0xb8;
	[tilespmem:$0x10200] =	vst v63  }
0xda: {  	_ =	swait.ge [sflag:s6], $0x10000  }
0xdb: {  	[sflag:s6] =	ssyncset.done $0x0  }
0xdc: {  	s1 =	rddreg [dreg:$0x4];
	[sflag:s6] =	ssyncadd.s32 $0xFFFF0000  }
0xdd: {  	[hbm4b:s1+s2] =	stream.linear.scatter [tilespmem:s5], [sflag:$0x2], $0x10000, $0x38;
	[tilespmem:$0x10200] =	vst v63  }
0xde: {  	_ =	swait.ge [sflag:s3], $0x10000  }
0xdf: {  	[sflag:s3] =	ssyncset.done $0x0  }
0xe0: {  	s1 =	rddreg [dreg:$0x5];
	[sflag:s3] =	ssyncadd.s32 $0xFFFF0000  }
0xe1: {  	[tilespmem:s2], [sflag:$0x2] =	stream.linear.gather [hbm4b:s1+s2], $0x200, $0x38;
	[tilespmem:$0x10200] =	vst v63  }
0xe2: {  	_ =	swait.ge [sflag:s3], $0x200  }
0xe3: {  	[sflag:s3] =	ssyncset.done $0x0  }
0xe4: {  	[sflag:s3] =	ssyncadd.s32 $0xFFFFFE00  }
0xe5: {  	[tilespmem:s5], [sflag:$0x1] =	stream.indirect.gather [hbm4b:s4+s5], $0x80, s2, s5, $0xb8;
	[tilespmem:$0x10200] =	vst v63  }
0xe6: {  	_ =	swait.ge [sflag:s6], $0x10000  }
0xe7: {  	[sflag:s6] =	ssyncset.done $0x0  }
0xe8: {  	s1 =	rddreg [dreg:$0x6];
	[sflag:s6] =	ssyncadd.s32 $0xFFFF0000  }
0xe9: {  	[hbm4b:s1+s2] =	stream.linear.scatter [tilespmem:s5], [sflag:$0x2], $0x10000, $0x38;
	[tilespmem:$0x10200] =	vst v63  }
0xea: {  	_ =	swait.ge [sflag:s3], $0x10000  }
0xeb: {  	[sflag:s3] =	ssyncset.done $0x0  }
0xec: {  	s1 =	rddreg [dreg:$0x7];
	[sflag:s3] =	ssyncadd.s32 $0xFFFF0000  }
0xed: {  	[tilespmem:s2], [sflag:$0x2] =	stream.linear.gather [hbm4b:s1+s2], $0x200, $0x38;
	[tilespmem:$0x10200] =	vst v63  }
0xee: {  	_ =	swait.ge [sflag:s3], $0x200  }
0xef: {  	[sflag:s3] =	ssyncset.done $0x0  }
0xf0: {  	[sflag:s3] =	ssyncadd.s32 $0xFFFFFE00  }
0xf1: {  	[tilespmem:s5], [sflag:$0x1] =	stream.indirect.gather [hbm4b:s4+s5], $0x80, s2, s5, $0xb8;
	[tilespmem:$0x10200] =	vst v63  }
0xf2: {  	_ =	swait.ge [sflag:s6], $0x10000  }
0xf3: {  	[sflag:s6] =	ssyncset.done $0x0  }
0xf4: {  	s1 =	rddreg [dreg:$0x8];
	[sflag:s6] =	ssyncadd.s32 $0xFFFF0000  }
0xf5: {  	[hbm4b:s1+s2] =	stream.linear.scatter [tilespmem:s5], [sflag:$0x2], $0x10000, $0x38;
	[tilespmem:$0x10200] =	vst v63  }
0xf6: {  	_ =	swait.ge [sflag:s3], $0x10000  }
0xf7: {  	[sflag:s3] =	ssyncset.done $0x0  }
0xf8: {  	s1 =	rddreg [dreg:$0x9];
	[sflag:s3] =	ssyncadd.s32 $0xFFFF0000  }
0xf9: {  	[tilespmem:s2], [sflag:$0x2] =	stream.linear.gather [hbm4b:s1+s2], $0x200, $0x38;
	[tilespmem:$0x10200] =	vst v63  }
0xfa: {  	_ =	swait.ge [sflag:s3], $0x200  }
0xfb: {  	[sflag:s3] =	ssyncset.done $0x0  }
0xfc: {  	[sflag:s3] =	ssyncadd.s32 $0xFFFFFE00  }
0xfd: {  	[tilespmem:s5], [sflag:$0x1] =	stream.indirect.gather [hbm4b:s4+s5], $0x80, s2, s5, $0xb8;
	[tilespmem:$0x10200] =	vst v63  }
0xfe: {  	_ =	swait.ge [sflag:s6], $0x10000  }
0xff: {  	[sflag:s6] =	ssyncset.done $0x0  }
0x100: {  	s1 =	rddreg [dreg:$0xa];
	[sflag:s6] =	ssyncadd.s32 $0xFFFF0000  }
0x101: {  	[hbm4b:s1+s2] =	stream.linear.scatter [tilespmem:s5], [sflag:$0x2], $0x10000, $0x38;
	[tilespmem:$0x10200] =	vst v63  }
0x102: {  	_ =	swait.ge [sflag:s3], $0x10000  }
0x103: {  	[sflag:s3] =	ssyncset.done $0x0  }
0x104: {  	[sflag:s3] =	ssyncadd.s32 $0xFFFF0000  }
0x105: {  	[tilespmem:s2], [sflag:$0x2] =	stream.linear.gather [hbm4b:s7+s2], $0x200, $0x38;
	[tilespmem:$0x10200] =	vst v63  }
0x106: {  	_ =	swait.ge [sflag:s3], $0x200  }
0x107: {  	[sflag:s3] =	ssyncset.done $0x0  }
0x108: {  	[sflag:s3] =	ssyncadd.s32 $0xFFFFFE00  }
0x109: {  	[tilespmem:s5], [sflag:$0x1] =	stream.indirect.gather [hbm4b:s4+s5], $0x80, s2, s5, $0xb8;
	[tilespmem:$0x10200] =	vst v63  }
0x10a: {  	_ =	swait.ge [sflag:s6], $0x10000  }
0x10b: {  	[sflag:s6] =	ssyncset.done $0x0  }
0x10c: {  	[sflag:s6] =	ssyncadd.s32 $0xFFFF0000  }
0x10d: {  	[hbm4b:s8+s2] =	stream.linear.scatter [tilespmem:s5], [sflag:$0x2], $0x10000, $0x38;
	[tilespmem:$0x10200] =	vst v63  }
0x10e: {  	_ =	swait.ge [sflag:s3], $0x10000  }
0x10f: {  	[sflag:s3] =	ssyncset.done $0x0  }
0x110: {  	[sflag:s3] =	ssyncadd.s32 $0xFFFF0000  }
0x111: {  	[tilespmem:s2], [sflag:$0x2] =	stream.linear.gather [hbm4b:s9+s2], $0x200, $0x38;
	[tilespmem:$0x10200] =	vst v63  }
0x112: {  	_ =	swait.ge [sflag:s3], $0x200  }
0x113: {  	[sflag:s3] =	ssyncset.done $0x0  }
0x114: {  	[sflag:s3] =	ssyncadd.s32 $0xFFFFFE00  }
0x115: {  	[tilespmem:s5], [sflag:$0x1] =	stream.indirect.gather [hbm4b:s4+s5], $0x80, s2, s5, $0xb8;
	[tilespmem:$0x10200] =	vst v63  }
0x116: {  	_ =	swait.ge [sflag:s6], $0x10000  }
0x117: {  	[sflag:s6] =	ssyncset.done $0x0  }
0x118: {  	[sflag:s6] =	ssyncadd.s32 $0xFFFF0000  }
0x119: {  	[hbm4b:s10+s2] =	stream.linear.scatter [tilespmem:s5], [sflag:$0x2], $0x10000, $0x38;
	[tilespmem:$0x10200] =	vst v63  }
0x11a: {  	_ =	swait.ge [sflag:s3], $0x10000  }
0x11b: {  	[sflag:s3] =	ssyncset.done $0x0  }
0x11c: {  	[sflag:s3] =	ssyncadd.s32 $0xFFFF0000  }
0x11d: {  	[tilespmem:s2], [sflag:$0x2] =	stream.linear.gather [hbm4b:s11+s2], $0x200, $0x38;
	[tilespmem:$0x10200] =	vst v63  }
0x11e: {  	_ =	swait.ge [sflag:s3], $0x200  }
0x11f: {  	[sflag:s3] =	ssyncset.done $0x0  }
0x120: {  	[sflag:s3] =	ssyncadd.s32 $0xFFFFFE00  }
0x121: {  	[tilespmem:s5], [sflag:$0x1] =	stream.indirect.gather [hbm4b:s4+s5], $0x80, s2, s5, $0xb8;
	[tilespmem:$0x10200] =	vst v63  }
0x122: {  	_ =	swait.ge [sflag:s6], $0x10000  }
0x123: {  	[sflag:s6] =	ssyncset.done $0x0  }
0x124: {  	[sflag:s6] =	ssyncadd.s32 $0xFFFF0000  }
0x125: {  	[hbm4b:s12+s2] =	stream.linear.scatter [tilespmem:s5], [sflag:$0x2], $0x10000, $0x38;
	[tilespmem:$0x10200] =	vst v63  }
0x126: {  	_ =	swait.ge [sflag:s3], $0x10000  }
0x127: {  	[sflag:s3] =	ssyncset.done $0x0  }
0x128: {  	[sflag:s3] =	ssyncadd.s32 $0xFFFF0000  }
0x129: {  	[tilespmem:s2], [sflag:$0x2] =	stream.linear.gather [hbm4b:s13+s2], $0x200, $0x38;
	[tilespmem:$0x10200] =	vst v63  }
0x12a: {  	_ =	swait.ge [sflag:s3], $0x200  }
0x12b: {  	[sflag:s3] =	ssyncset.done $0x0  }
0x12c: {  	[sflag:s3] =	ssyncadd.s32 $0xFFFFFE00  }
0x12d: {  	[tilespmem:s5], [sflag:$0x1] =	stream.indirect.gather [hbm4b:s4+s5], $0x80, s2, s5, $0xb8;
	[tilespmem:$0x10200] =	vst v63  }
0x12e: {  	_ =	swait.ge [sflag:s6], $0x10000  }
0x12f: {  	[sflag:s6] =	ssyncset.done $0x0  }
0x130: {  	[sflag:s6] =	ssyncadd.s32 $0xFFFF0000  }
0x131: {  	[hbm4b:s14+s2] =	stream.linear.scatter [tilespmem:s5], [sflag:$0x2], $0x10000, $0x38;
	[tilespmem:$0x10200] =	vst v63  }
0x132: {  	_ =	swait.ge [sflag:s3], $0x10000  }
0x133: {  	[sflag:s3] =	ssyncset.done $0x0  }
0x134: {  	[sflag:s3] =	ssyncadd.s32 $0xFFFF0000  }
0x135: {  	[tilespmem:s2], [sflag:$0x2] =	stream.linear.gather [hbm4b:s15+s2], $0x200, $0x38;
	[tilespmem:$0x10200] =	vst v63  }
0x136: {  	_ =	swait.ge [sflag:s3], $0x200  }
0x137: {  	[sflag:s3] =	ssyncset.done $0x0  }
0x138: {  	[sflag:s3] =	ssyncadd.s32 $0xFFFFFE00  }
0x139: {  	[tilespmem:s5], [sflag:$0x1] =	stream.indirect.gather [hbm4b:s4+s5], $0x80, s2, s5, $0xb8;
	[tilespmem:$0x10200] =	vst v63  }
0x13a: {  	_ =	swait.ge [sflag:s6], $0x10000  }
0x13b: {  	[sflag:s6] =	ssyncset.done $0x0  }
0x13c: {  	[sflag:s6] =	ssyncadd.s32 $0xFFFF0000  }
0x13d: {  	[hbm4b:s16+s2] =	stream.linear.scatter [tilespmem:s5], [sflag:$0x2], $0x10000, $0x38;
	[tilespmem:$0x10200] =	vst v63  }
0x13e: {  	_ =	swait.ge [sflag:s3], $0x10000  }
0x13f: {  	[sflag:s3] =	ssyncset.done $0x0  }
0x140: {  	[sflag:s3] =	ssyncadd.s32 $0xFFFF0000  }
0x141: {  	[tilespmem:s2], [sflag:$0x2] =	stream.linear.gather [hbm4b:s17+s2], $0x200, $0x38;
	[tilespmem:$0x10200] =	vst v63  }
0x142: {  	_ =	swait.ge [sflag:s3], $0x200  }
0x143: {  	[sflag:s3] =	ssyncset.done $0x0  }
0x144: {  	[sflag:s3] =	ssyncadd.s32 $0xFFFFFE00  }
0x145: {  	[tilespmem:s5], [sflag:$0x1] =	stream.indirect.gather [hbm4b:s4+s5], $0x80, s2, s5, $0xb8;
	[tilespmem:$0x10200] =	vst v63  }
0x146: {  	_ =	swait.ge [sflag:s6], $0x10000  }
0x147: {  	[sflag:s6] =	ssyncset.done $0x0  }
0x148: {  	[sflag:s6] =	ssyncadd.s32 $0xFFFF0000  }
0x149: {  	[hbm4b:s18+s2] =	stream.linear.scatter [tilespmem:s5], [sflag:$0x2], $0x10000, $0x38;
	[tilespmem:$0x10200] =	vst v63  }
0x14a: {  	_ =	swait.ge [sflag:s3], $0x10000  }
0x14b: {  	[sflag:s3] =	ssyncset.done $0x0  }
0x14c: {  	[sflag:s3] =	ssyncadd.s32 $0xFFFF0000  }
0x14d: {  	[tilespmem:s2], [sflag:$0x2] =	stream.linear.gather [hbm4b:s19+s2], $0x200, $0x38;
	[tilespmem:$0x10200] =	vst v63  }
0x14e: {  	_ =	swait.ge [sflag:s3], $0x200  }
0x14f: {  	[sflag:s3] =	ssyncset.done $0x0  }
0x150: {  	[sflag:s3] =	ssyncadd.s32 $0xFFFFFE00  }
0x151: {  	[tilespmem:s5], [sflag:$0x1] =	stream.indirect.gather [hbm4b:s4+s5], $0x80, s2, s5, $0xb8;
	[tilespmem:$0x10200] =	vst v63  }
0x152: {  	_ =	swait.ge [sflag:s6], $0x10000  }
0x153: {  	[sflag:s6] =	ssyncset.done $0x0  }
0x154: {  	[sflag:s6] =	ssyncadd.s32 $0xFFFF0000  }
0x155: {  	[hbm4b:s20+s2] =	stream.linear.scatter [tilespmem:s5], [sflag:$0x2], $0x10000, $0x38;
	[tilespmem:$0x10200] =	vst v63  }
0x156: {  	_ =	swait.ge [sflag:s3], $0x10000  }
0x157: {  	[sflag:s3] =	ssyncset.done $0x0  }
0x158: {  	[sflag:s3] =	ssyncadd.s32 $0xFFFF0000  }
0x159: {  	[tilespmem:s2], [sflag:$0x2] =	stream.linear.gather [hbm4b:s21+s2], $0x200, $0x38;
	[tilespmem:$0x10200] =	vst v63  }
0x15a: {  	_ =	swait.ge [sflag:s3], $0x200  }
0x15b: {  	[sflag:s3] =	ssyncset.done $0x0  }
0x15c: {  	[sflag:s3] =	ssyncadd.s32 $0xFFFFFE00  }
0x15d: {  	[tilespmem:s5], [sflag:$0x1] =	stream.indirect.gather [hbm4b:s4+s5], $0x80, s2, s5, $0xb8;
	[tilespmem:$0x10200] =	vst v63  }
0x15e: {  	_ =	swait.ge [sflag:s6], $0x10000  }
0x15f: {  	[sflag:s6] =	ssyncset.done $0x0  }
0x160: {  	[sflag:s6] =	ssyncadd.s32 $0xFFFF0000  }
0x161: {  	[hbm4b:s22+s2] =	stream.linear.scatter [tilespmem:s5], [sflag:$0x2], $0x10000, $0x38;
	[tilespmem:$0x10200] =	vst v63  }
0x162: {  	_ =	swait.ge [sflag:s3], $0x10000  }
0x163: {  	[sflag:s3] =	ssyncset.done $0x0  }
0x164: {  	[sflag:s3] =	ssyncadd.s32 $0xFFFF0000  }
0x165: {  	[tilespmem:s2], [sflag:$0x2] =	stream.linear.gather [hbm4b:s23+s2], $0x200, $0x38;
	[tilespmem:$0x10200] =	vst v63  }
0x166: {  	_ =	swait.ge [sflag:s3], $0x200  }
0x167: {  	[sflag:s3] =	ssyncset.done $0x0  }
0x168: {  	[sflag:s3] =	ssyncadd.s32 $0xFFFFFE00  }
0x169: {  	[tilespmem:s5], [sflag:$0x1] =	stream.indirect.gather [hbm4b:s4+s5], $0x80, s2, s5, $0xb8;
	[tilespmem:$0x10200] =	vst v63  }
0x16a: {  	_ =	swait.ge [sflag:s6], $0x10000  }
0x16b: {  	[sflag:s6] =	ssyncset.done $0x0  }
0x16c: {  	[sflag:s6] =	ssyncadd.s32 $0xFFFF0000  }
0x16d: {  	[hbm4b:s24+s2] =	stream.linear.scatter [tilespmem:s5], [sflag:$0x2], $0x10000, $0x38;
	[tilespmem:$0x10200] =	vst v63  }
0x16e: {  	_ =	swait.ge [sflag:s3], $0x10000  }
0x16f: {  	[sflag:s3] =	ssyncset.done $0x0  }
0x170: {  	[sflag:s3] =	ssyncadd.s32 $0xFFFF0000  }
0x171: {  	[tilespmem:s2], [sflag:$0x2] =	stream.linear.gather [hbm4b:s25+s2], $0x200, $0x38;
	[tilespmem:$0x10200] =	vst v63  }
0x172: {  	_ =	swait.ge [sflag:s3], $0x200  }
0x173: {  	[sflag:s3] =	ssyncset.done $0x0  }
0x174: {  	[sflag:s3] =	ssyncadd.s32 $0xFFFFFE00  }
0x175: {  	[tilespmem:s5], [sflag:$0x1] =	stream.indirect.gather [hbm4b:s4+s5], $0x80, s2, s5, $0xb8;
	[tilespmem:$0x10200] =	vst v63  }
0x176: {  	_ =	swait.ge [sflag:s6], $0x10000  }
0x177: {  	[sflag:s6] =	ssyncset.done $0x0  }
0x178: {  	[sflag:s6] =	ssyncadd.s32 $0xFFFF0000  }
0x179: {  	[hbm4b:s26+s2] =	stream.linear.scatter [tilespmem:s5], [sflag:$0x2], $0x10000, $0x38;
	[tilespmem:$0x10200] =	vst v63  }
0x17a: {  	_ =	swait.ge [sflag:s3], $0x10000  }
0x17b: {  	[sflag:s3] =	ssyncset.done $0x0  }
0x17c: {  	[sflag:s3] =	ssyncadd.s32 $0xFFFF0000  }
0x17d: {  	[tilespmem:s2], [sflag:$0x2] =	stream.linear.gather [hbm4b:s28+s2], $0x200, $0x38;
	[tilespmem:$0x10200] =	vst v63  }
0x17e: {  	_ =	swait.ge [sflag:s3], $0x200  }
0x17f: {  	[sflag:s3] =	ssyncset.done $0x0  }
0x180: {  	[sflag:s3] =	ssyncadd.s32 $0xFFFFFE00  }
0x181: {  	[tilespmem:s5], [sflag:$0x1] =	stream.indirect.gather [hbm4b:s4+s5], $0x80, s2, s5, $0xb8;
	[tilespmem:$0x10200] =	vst v63  }
0x182: {  	_ =	swait.ge [sflag:s6], $0x10000  }
0x183: {  	[sflag:s6] =	ssyncset.done $0x0  }
0x184: {  	[sflag:s6] =	ssyncadd.s32 $0xFFFF0000  }
0x185: {  	[hbm4b:s29+s2] =	stream.linear.scatter [tilespmem:s5], [sflag:$0x2], $0x10000, $0x38;
	[tilespmem:$0x10200] =	vst v63  }
0x186: {  	_ =	swait.ge [sflag:s3], $0x10000  }
0x187: {  	[sflag:s3] =	ssyncset.done $0x0  }
0x188: {  	[sflag:s3] =	ssyncadd.s32 $0xFFFF0000  }
0x189: {  	[tilespmem:s2], [sflag:$0x2] =	stream.linear.gather [hbm4b:s30+s2], $0x200, $0x38;
	[tilespmem:$0x10200] =	vst v63  }
0x18a: {  	_ =	swait.ge [sflag:s3], $0x200  }
0x18b: {  	[sflag:s3] =	ssyncset.done $0x0  }
0x18c: {  	p0 =	sne.s32 s0, $0x1;
	[sflag:s3] =	ssyncadd.s32 $0xFFFFFE00  }
0x18d: {  	[tilespmem:s5], [sflag:$0x1] =	stream.indirect.gather [hbm4b:s4+s5], $0x80, s2, s5, $0xb8;
	[tilespmem:$0x10200] =	vst v63  }
.Ltmp1:
0x18e: {  	_ =	swait.ge [sflag:s6], $0x10000;
	(pc) =	sbr.rel @p0 .LBB2_1-.Ltmp1, $4  }
0x18f: {  	[sflag:s6] =	ssyncset.done $0x0  }
0x190: {  	[sflag:s6] =	ssyncadd.s32 $0xFFFF0000  }
0x191: {  	[hbm4b:s31+s2] =	stream.linear.scatter [tilespmem:s5], [sflag:$0x2], $0x10000, $0x38;
	[tilespmem:$0x10200] =	vst v63  }
0x192: {  	s0 =	sadd.s32 $0xFFFFFFFF, s0;
	_ =	swait.ge [sflag:s3], $0x10000  }
.LBB2_2:
0x193: {  	[sflag:s3] =	ssyncset.done $0x0  }
0x194: {  	[sflag:s3] =	ssyncadd.s32 $0xFFFF0000  }
0x195: {  	_ =	sfence.sel $0x180000  }
0x196: {  	[bflag:$0x0] =	sbarrier.arrive $0xFFFF  }
0x197: {  	_ =	strace $0x90000047  }
0x198: {  	s0 =	stileid.u32;
	[bflag:$0x2] =	sbarrier.arrive $0xFFFF  }
0x199: {  	p0 =	sne.s32 s0, $0x0;
	s0 =	rddreg [dreg:$0x2]  }
0x19a: {  	s0 =	sadd.s32 @!p0 $0x100000, s0  }
0x19b: {  	[sflag:s0] =	ssyncadd.tile.s32 @!p0 $0x1;
	_ =	shalt  }
.Lfunc_end2:
_tile_overlayer_lowered:
.L_overlay_start_2:
0x19c: {  	(tag) =	ssettag $0x2  }
0x19d: {  	s0 =	rddreg [dreg:$0x0];
	s2 =	stileid.u32  }
0x19e: {  	s1 =	rddreg [dreg:$0x1];
	p0 =	sne.s32 s2, $0x0  }
0x19f: {  	s3 =	rddreg [dreg:$0x2];
	[bflag:$0x3] =	sbarrier.arrive $0xFFFF;
	s2 =	simm.s32 @!p0 $0x1C02  }
0x1a0: {  	[timem:s3], [sflag:s2] =	dma.local @!p0 [hbm:s0], s1  }
0x1a1: {  	s0 =	simm.s32 @!p0 $0x2  }
0x1a2: {  	_ =	swait.ge @!p0 [sflag:s0], s1  }
0x1a3: {  	s1 =	ssub.s32 @!p0 $0x0, s1;
	[sflag:s0] =	ssyncset.done @!p0 $0x0  }
0x1a4: {  	[sflag:s0] =	ssyncadd.s32 @!p0 s1  }
0x1a5: {  	[bflag:$0x3] =	sbarrier.arrive $0xFFFF  }
0x1a6: {  	_ =	shalt  }

</sc_bundles>
